<compile_context>
chip_gen: v7x
topology: tpu7x:2x2x1
jax: 0.10.2.dev20260603
libtpu: 0.0.44.dev20260713+nightly
codegen_flags: <defaults>
</compile_context>

<pallas_src>
import functools

import jax
import jax.numpy as jnp
import numpy as np
from jax import lax
from jax.experimental import pallas as pl
from jax.experimental.pallas import tpu as pltpu
from jax.experimental.pallas import tpu_sc as plsc

E = 64
D = 1024
F = 2048
CAP_FACTOR = 1.25
NC, NS = 2, 16
NW = NC * NS


def _make_routing_dispatch(T, C, C2, slots, chunk):
  per_w = slots // NW
  n_ch = per_w // chunk
  nv = T // 16
  mesh = plsc.VectorSubcoreMesh(core_axis_name="c", subcore_axis_name="s")

  @functools.partial(
      pl.kernel, mesh=mesh,
      compiler_params=pltpu.CompilerParams(needs_layout_passes=False),
      out_type=(jax.ShapeDtypeStruct((slots, D), jnp.float32),
                jax.ShapeDtypeStruct((NW, T), jnp.int32)),
      scratch_types=[
          pltpu.VMEM((T,), jnp.int32),
          pltpu.VMEM((T,), jnp.int32),
          pltpu.VMEM((per_w,), jnp.int32),
          pltpu.VMEM((chunk, D), jnp.float32),
          pltpu.VMEM((chunk, D), jnp.float32),
          pltpu.SemaphoreType.DMA,
          pltpu.SemaphoreType.DMA,
      ],
  )
  def rd(ids_hbm, x_hbm, buf_hbm, destp_hbm, ids_v, destc_v, idx_v,
         rows0, rows1, sem0, sem1):
    cid = lax.axis_index("c")
    sid = lax.axis_index("s")
    w = sid * NC + cid
    base = w * per_w
    e0 = 2 * w
    e1 = 2 * w + 1

    pltpu.sync_copy(ids_hbm, ids_v)

    lanes = lax.iota(jnp.int32, 16)

    def bcast(s):
      return jnp.full((16,), s, jnp.int32)

    def init_body(i, _):
      o = pl.multiple_of(i * 16, 16)
      iv = lanes + bcast(base + i * 16)
      idx_v[pl.ds(o, 16)] = lax.rem(iv, bcast(T))
      return 0

    lax.fori_loop(0, per_w // 16, init_body, 0)

    ec0 = bcast(E)
    e0v = bcast(e0)
    e1v = bcast(e1)
    onev = bcast(1)
    cv = bcast(C)
    d0base = bcast(e0 * C2 + 1)
    d1base = bcast(e1 * C2 + 1)
    c2v = bcast(C2)
    zero = bcast(0)

    dn = lax.GatherDimensionNumbers(offset_dims=(),
                                    collapsed_slice_dims=(0,),
                                    start_index_map=(0,))

    def lgather(s, idx):
      return lax.gather(s, idx[:, None], dn, slice_sizes=(1,),
                        mode=lax.GatherScatterMode.PROMISE_IN_BOUNDS)

    lane15 = bcast(15)

    def body(i, carry):
      c0v, c1v = carry
      o = pl.multiple_of(i * 16, 16)
      v = ids_v[pl.ds(o, 16)]
      ex = lax.rem(v, ec0)
      tok = lanes + bcast(i * 16)
      m0 = ex == e0v
      m1 = ex == e1v
      im0 = jnp.where(m0, onev, zero)
      im1 = jnp.where(m1, onev, zero)

      p0 = plsc.cumsum(im0)
      p1 = plsc.cumsum(im1)
      s0 = c0v + p0 - onev
      s1 = c1v + p1 - onev
      k0 = jnp.logical_and(m0, s0 < cv)
      k1 = jnp.logical_and(m1, s1 < cv)
      plsc.store_scatter(idx_v, [s0], tok, mask=k0)
      plsc.store_scatter(idx_v, [s1 + c2v], tok, mask=k1)
      d0 = d0base + jnp.minimum(s0, cv)
      d1 = d1base + jnp.minimum(s1, cv)
      destc_v[pl.ds(o, 16)] = jnp.where(m0, d0, jnp.where(m1, d1, zero))
      c0v = c0v + lgather(p0, lane15)
      c1v = c1v + lgather(p1, lane15)
      return (c0v, c1v)

    lax.fori_loop(0, nv, body, (zero, zero))

    pltpu.sync_copy(destc_v, destp_hbm.at[w])

    rows = (rows0, rows1)
    sems = (sem0, sem1)
    cps = [None, None]
    cps[0] = pltpu.async_copy(x_hbm.at[idx_v.at[pl.ds(0, chunk)]], rows0, sem0)
    for k in range(n_ch):
      if k + 1 < n_ch:
        cps[(k + 1) % 2] = pltpu.async_copy(
            x_hbm.at[idx_v.at[pl.ds((k + 1) * chunk, chunk)]],
            rows[(k + 1) % 2], sems[(k + 1) % 2])
      cps[k % 2].wait()
      pltpu.sync_copy(rows[k % 2], buf_hbm.at[pl.ds(base + k * chunk, chunk)])

  return rd


def _ffn_body(C, C2, buf_ref, w1_ref, w2_ref, y_ref):
  f = pl.program_id(1)
  b = buf_ref[0]
  h = jnp.maximum(
      lax.dot_general(b, w1_ref[0], (((1,), (0,)), ((), ())),
                      preferred_element_type=jnp.float32), 0.0)
  yp = lax.dot_general(h, w2_ref[0], (((1,), (0,)), ((), ())),
                       preferred_element_type=jnp.float32)
  rowmask = (lax.broadcasted_iota(jnp.int32, (C2, 1), 0) < C).astype(yp.dtype)
  yp = yp * rowmask

  @pl.when(f == 0)
  def _():
    y_ref[0] = yp

  @pl.when(f != 0)
  def _():
    y_ref[0] = y_ref[0] + yp


def _make_ffn(C, C2, fblk):
  nf = F // fblk
  return pl.pallas_call(
      functools.partial(_ffn_body, C, C2),
      grid=(E, nf),
      in_specs=[
          pl.BlockSpec((1, C2, D), lambda e, f: (e, 0, 0)),
          pl.BlockSpec((1, D, fblk), lambda e, f: (e, 0, f)),
          pl.BlockSpec((1, fblk, D), lambda e, f: (e, f, 0)),
      ],
      out_specs=pl.BlockSpec((1, C2, D), lambda e, f: (e, 0, 0)),
      out_shape=jax.ShapeDtypeStruct((E, C2, D), jnp.float32),
      compiler_params=pltpu.CompilerParams(
          dimension_semantics=("arbitrary", "arbitrary")),
  )


def _make_combine(T, chunk):
  per_w = T // NW
  n_ch = per_w // chunk
  mesh = plsc.VectorSubcoreMesh(core_axis_name="c", subcore_axis_name="s")

  @functools.partial(
      pl.kernel, mesh=mesh,
      compiler_params=pltpu.CompilerParams(needs_layout_passes=False),
      out_type=jax.ShapeDtypeStruct((T, D), jnp.float32),
      scratch_types=[
          pltpu.VMEM((NW, per_w), jnp.int32),
          pltpu.VMEM((per_w,), jnp.int32),
          pltpu.VMEM((chunk, D), jnp.float32),
          pltpu.VMEM((chunk, D), jnp.float32),
          pltpu.SemaphoreType.DMA,
          pltpu.SemaphoreType.DMA,
      ],
  )
  def combine(y_hbm, destp_hbm, out_hbm, dp_v, idx_v, rows0, rows1,
              sem0, sem1):
    wid = lax.axis_index("s") * NC + lax.axis_index("c")
    base = wid * per_w
    pltpu.sync_copy(destp_hbm.at[:, pl.ds(base, per_w)], dp_v)

    def sum_body(i, _):
      o = pl.multiple_of(i * 16, 16)
      acc = jnp.full((16,), -1, jnp.int32)
      for s2 in range(NW):
        acc = acc + dp_v[s2, pl.ds(o, 16)]
      idx_v[pl.ds(o, 16)] = acc
      return 0

    lax.fori_loop(0, per_w // 16, sum_body, 0)

    rows = (rows0, rows1)
    sems = (sem0, sem1)
    cps = [None, None]
    cps[0] = pltpu.async_copy(y_hbm.at[idx_v.at[pl.ds(0, chunk)]], rows0, sem0)
    for k in range(n_ch):
      if k + 1 < n_ch:
        cps[(k + 1) % 2] = pltpu.async_copy(
            y_hbm.at[idx_v.at[pl.ds((k + 1) * chunk, chunk)]],
            rows[(k + 1) % 2], sems[(k + 1) % 2])
      cps[k % 2].wait()
      pltpu.sync_copy(rows[k % 2], out_hbm.at[pl.ds(base + k * chunk, chunk)])

  return combine


@jax.jit
def kernel(hidden_states, input_ids, w1, w2):
  B, S, _ = hidden_states.shape
  T = B * S
  C = int(np.ceil(T / E * CAP_FACTOR))
  C2 = C + 16
  slots = E * C2

  x = hidden_states.reshape(T, D)
  ids = input_ids.reshape(T).astype(jnp.int32)

  buf, destp = _make_routing_dispatch(T, C, C2, slots, 48)(ids, x)
  y = _make_ffn(C, C2, 1024)(buf.reshape(E, C2, D), w1, w2)
  out = _make_combine(T, 32)(y.reshape(slots, D), destp)
  return out.reshape(B, S, D)

# --- scband reference (transcript-rebuilt; emitter-appended) ---
"""Pipeline reference for scband-hash-mo-erunner-78881369358364 (READ-ONLY COPY).

The authoritative reference and input builder live on the scoring server;
editing this copy changes nothing except your own understanding.
"""

import jax, jax.numpy as jnp
import numpy as np

E = 64
D_MODEL = 1024
D_FF = 2048
CAP_FACTOR = 1.25

def setup_inputs(seed: int = 0) -> dict:
    key = jax.random.key(seed)
    k1, k2, k3, k4 = jax.random.split(key, 4)
    hidden_states = jax.random.normal(k1, (2, 2048, D_MODEL), dtype=jnp.float32)
    input_ids = jax.random.randint(k2, (2, 2048), 0, 32000, dtype=jnp.int64)
    w1 = jax.random.normal(k3, (E, D_MODEL, D_FF), dtype=jnp.float32) * 0.02
    w2 = jax.random.normal(k4, (E, D_FF, D_MODEL), dtype=jnp.float32) * 0.02
    return {"hidden_states": hidden_states, "input_ids": input_ids, "w1": w1, "w2": w2}

def reference(hidden_states, input_ids, w1, w2):
    # Hash-routed top-1 MoE with a2a-style capacity dispatch.
    # The runner stashes flattened input_ids on the gate; the gate routes each
    # token to expert = input_ids % num_experts with unit routing weight.
    B, S, D = hidden_states.shape
    T = B * S
    C = int(np.ceil(T / E * CAP_FACTOR))
    x = hidden_states.reshape(T, D)
    ids = input_ids.reshape(T).astype(jnp.int32)
    expert = jnp.mod(ids, E)
    # sort tokens by expert (stable) -> contiguous per-expert blocks (a2a layout)
    order = jnp.argsort(expert, stable=True)
    e_s = expert[order]
    x_s = jnp.take(x, order, axis=0)
    counts = jnp.bincount(e_s, length=E)
    offsets = jnp.cumsum(counts) - counts
    pos = jnp.arange(T, dtype=jnp.int32) - jnp.take(offsets, e_s)
    keep = pos < C
    pos_c = jnp.where(keep, pos, 0)
    # scatter into [E, C, D] expert buffers (dropped tokens contribute zeros)
    buf = jnp.zeros((E, C, D), dtype=x.dtype).at[e_s, pos_c].add(
        jnp.where(keep[:, None], x_s, 0.0))
    # per-expert FFN
    h = jax.nn.relu(jnp.einsum('ecd,edf->ecf', buf, w1))
    y = jnp.einsum('ecf,efd->ecd', h, w2)
    # gather back to sorted token order; dropped tokens emit zeros
    y_tok = y[e_s, pos_c] * keep[:, None].astype(y.dtype)
    # unsort to original token order
    out = jnp.zeros((T, D), dtype=y.dtype).at[order].set(y_tok)
    return out.reshape(B, S, D)

if __name__ == "__main__":
    import jax
    _d = setup_inputs()
    print(jax.jit(kernel)(*tuple(_d.values())))

</pallas_src>

<mosaic_0001>
#map = affine_map<(d0, d1) -> (0)>
#map1 = affine_map<(d0, d1) -> (0, 0)>
module attributes {stable_mosaic.version = 14 : i64} {
  func.func @rd(%arg0: i32, %arg1: i32, %arg2: memref<4096xi32, #tpu.memory_space<hbm>>, %arg3: memref<4096x1024xf32, #tpu.memory_space<hbm>>, %arg4: memref<6144x1024xf32, #tpu.memory_space<hbm>>, %arg5: memref<32x4096xi32, #tpu.memory_space<hbm>>, %arg6: memref<4096xi32, #tpu.memory_space<vmem>>, %arg7: memref<4096xi32, #tpu.memory_space<vmem>>, %arg8: memref<192xi32, #tpu.memory_space<vmem>>, %arg9: memref<48x1024xf32, #tpu.memory_space<vmem>>, %arg10: memref<48x1024xf32, #tpu.memory_space<vmem>>, %arg11: memref<!tpu.dma_semaphore, #tpu.memory_space<semaphore_mem>>, %arg12: memref<!tpu.dma_semaphore, #tpu.memory_space<semaphore_mem>>) attributes {dimension_semantics = [#tpu.dimension_semantics<core_parallel>, #tpu.dimension_semantics<subcore_parallel>], iteration_bounds = array<i64: 2, 16>, scalar_prefetch = 0 : i64, scratch_operands = 7 : i64, tpu.core_type = #tpu.core_type<sc_vector_subcore>, window_params = [{transform_indices = #map}, {transform_indices = #map1}, {transform_indices = #map1}, {transform_indices = #map1}]} {
    %mul3A = arith.constant 2 : i32
    %mul3A_0 = arith.muli %arg1, %mul3A : i32
    %add3A = arith.addi %mul3A_0, %arg0 : i32
    %mul3A_1 = arith.constant 192 : i32
    %mul3A_2 = arith.muli %add3A, %mul3A_1 : i32
    %mul3A_3 = arith.constant 2 : i32
    %mul3A_4 = arith.muli %mul3A_3, %add3A : i32
    %mul3A_5 = arith.constant 2 : i32
    %mul3A_6 = arith.muli %mul3A_5, %add3A : i32
    %add3A_7 = arith.constant 1 : i32
    %add3A_8 = arith.addi %mul3A_6, %add3A_7 : i32
    "tpu.region"() ({
      %run_scoped3A = tpu.sem_alloc : memref<!tpu.dma_semaphore, #tpu.memory_space<semaphore_mem>>
      tpu.enqueue_dma source(%arg2 : memref<4096xi32, #tpu.memory_space<hbm>>) target(%arg6 : memref<4096xi32, #tpu.memory_space<vmem>>) target_semaphore(%run_scoped3A : memref<!tpu.dma_semaphore, #tpu.memory_space<semaphore_mem>>)
      tpu.wait_dma2 semaphore(%run_scoped3A : memref<!tpu.dma_semaphore, #tpu.memory_space<semaphore_mem>>) src(%arg2 : memref<4096xi32, #tpu.memory_space<hbm>>) dst(%arg6 : memref<4096xi32, #tpu.memory_space<vmem>>)
      tpu.yield
    }) : () -> ()
    %iota3A = tpu.iota {dimensions = array<i32: 0>} : vector<16xi32>
    %scan3A = arith.constant 0 : i32
    %scan3A_9 = arith.constant 0 : i32
    %scan3A_10 = arith.constant 12 : i32
    %scan3A_11 = arith.addi %scan3A_9, %scan3A_10 : i32
    %scan3A_12 = arith.constant 1 : i32
    %scan3A_13 = scf.for %scan3A_90 = %scan3A_9 to %scan3A_11 step %scan3A_12 iter_args(%scan3A_91 = %scan3A) -> (i32)  : i32 {
      %mul3A_92 = arith.constant 16 : i32
      %mul3A_93 = arith.muli %scan3A_90, %mul3A_92 : i32
      %multiple_of3A = tpu.assume_multiple %mul3A_93, 16 : i32
      %mul3A_94 = arith.constant 16 : i32
      %mul3A_95 = arith.muli %scan3A_90, %mul3A_94 : i32
      %add3A_96 = arith.addi %mul3A_2, %mul3A_95 : i32
      %broadcast_in_dim3A_97 = vector.broadcast %add3A_96 : i32 to vector<16xi32>
      %add3A_98 = arith.addi %iota3A, %broadcast_in_dim3A_97 : vector<16xi32>
      %broadcast_in_dim3A_99 = arith.constant 4096 : i32
      %broadcast_in_dim3A_100 = vector.broadcast %broadcast_in_dim3A_99 : i32 to vector<16xi32>
      %rem3A = arith.remsi %add3A_98, %broadcast_in_dim3A_100 : vector<16xi32>
      %swap3A = arith.index_cast %multiple_of3A : i32 to index
      %swap3A_101 = tpu.vector_load %arg8[%swap3A] {strides = array<i32>} : memref<192xi32, #tpu.memory_space<vmem>>, vector<16xi32>,
      tpu.vector_store %arg8[%swap3A], %rem3A {strides = array<i32>} : memref<192xi32, #tpu.memory_space<vmem>>, vector<16xi32>,
      %scan3A_102 = arith.constant 0 : i32
      scf.yield %scan3A_102 : i32
    }
    %scan3A_14 = arith.constant 12 : i32
    %broadcast_in_dim3A = arith.constant 64 : i32
    %broadcast_in_dim3A_15 = vector.broadcast %broadcast_in_dim3A : i32 to vector<16xi32>
    %broadcast_in_dim3A_16 = vector.broadcast %mul3A_4 : i32 to vector<16xi32>
    %broadcast_in_dim3A_17 = vector.broadcast %add3A_8 : i32 to vector<16xi32>
    %broadcast_in_dim3A_18 = arith.constant 1 : i32
    %broadcast_in_dim3A_19 = vector.broadcast %broadcast_in_dim3A_18 : i32 to vector<16xi32>
    %broadcast_in_dim3A_20 = arith.constant 80 : i32
    %broadcast_in_dim3A_21 = vector.broadcast %broadcast_in_dim3A_20 : i32 to vector<16xi32>
    %mul3A_22 = arith.constant 96 : i32
    %mul3A_23 = arith.muli %mul3A_4, %mul3A_22 : i32
    %add3A_24 = arith.constant 1 : i32
    %add3A_25 = arith.addi %mul3A_23, %add3A_24 : i32
    %broadcast_in_dim3A_26 = vector.broadcast %add3A_25 : i32 to vector<16xi32>
    %mul3A_27 = arith.constant 96 : i32
    %mul3A_28 = arith.muli %add3A_8, %mul3A_27 : i32
    %add3A_29 = arith.constant 1 : i32
    %add3A_30 = arith.addi %mul3A_28, %add3A_29 : i32
    %broadcast_in_dim3A_31 = vector.broadcast %add3A_30 : i32 to vector<16xi32>
    %broadcast_in_dim3A_32 = arith.constant 96 : i32
    %broadcast_in_dim3A_33 = vector.broadcast %broadcast_in_dim3A_32 : i32 to vector<16xi32>
    %broadcast_in_dim3A_34 = arith.constant 0 : i32
    %broadcast_in_dim3A_35 = vector.broadcast %broadcast_in_dim3A_34 : i32 to vector<16xi32>
    %broadcast_in_dim3A_36 = arith.constant 15 : i32
    %broadcast_in_dim3A_37 = vector.broadcast %broadcast_in_dim3A_36 : i32 to vector<16xi32>
    %scan3A_38 = arith.constant 0 : i32
    %scan3A_39 = arith.constant 256 : i32
    %scan3A_40 = arith.addi %scan3A_38, %scan3A_39 : i32
    %scan3A_41 = arith.constant 1 : i32
    %scan3A_42:2 = scf.for %scan3A_90 = %scan3A_38 to %scan3A_40 step %scan3A_41 iter_args(%scan3A_91 = %broadcast_in_dim3A_35, %scan3A_92 = %broadcast_in_dim3A_35) -> (vector<16xi32>, vector<16xi32>)  : i32 {
      %mul3A_93 = arith.constant 16 : i32
      %mul3A_94 = arith.muli %scan3A_90, %mul3A_93 : i32
      %multiple_of3A = tpu.assume_multiple %mul3A_94, 16 : i32
      %get3A = arith.index_cast %multiple_of3A : i32 to index
      %get3A_95 = tpu.vector_load %arg6[%get3A] {strides = array<i32>} : memref<4096xi32, #tpu.memory_space<vmem>>, vector<16xi32>,
      %rem3A = arith.remsi %get3A_95, %broadcast_in_dim3A_15 : vector<16xi32>
      %mul3A_96 = arith.constant 16 : i32
      %mul3A_97 = arith.muli %scan3A_90, %mul3A_96 : i32
      %broadcast_in_dim3A_98 = vector.broadcast %mul3A_97 : i32 to vector<16xi32>
      %add3A_99 = arith.addi %iota3A, %broadcast_in_dim3A_98 : vector<16xi32>
      %eq3A = arith.cmpi eq, %rem3A, %broadcast_in_dim3A_16 : vector<16xi32>
      %eq3A_100 = arith.cmpi eq, %rem3A, %broadcast_in_dim3A_17 : vector<16xi32>
      %select_n3A = arith.select %eq3A, %broadcast_in_dim3A_19, %broadcast_in_dim3A_35 : vector<16xi1>, vector<16xi32>
      %select_n3A_101 = arith.select %eq3A_100, %broadcast_in_dim3A_19, %broadcast_in_dim3A_35 : vector<16xi1>, vector<16xi32>
      %broadcast_in_dim3A_102 = arith.constant true
      %broadcast_in_dim3A_103 = vector.broadcast %broadcast_in_dim3A_102 : i1 to vector<16xi1>
      %masked_cumsum3A = tpu.scan <sum>, %select_n3A masked %broadcast_in_dim3A_103 : vector<16xi32>, vector<16xi1> -> vector<16xi32>
      %broadcast_in_dim3A_104 = arith.constant true
      %broadcast_in_dim3A_105 = vector.broadcast %broadcast_in_dim3A_104 : i1 to vector<16xi1>
      %masked_cumsum3A_106 = tpu.scan <sum>, %select_n3A_101 masked %broadcast_in_dim3A_105 : vector<16xi32>, vector<16xi1> -> vector<16xi32>
      %add3A_107 = arith.addi %scan3A_91, %masked_cumsum3A : vector<16xi32>
      %sub3A = arith.subi %add3A_107, %broadcast_in_dim3A_19 : vector<16xi32>
      %add3A_108 = arith.addi %scan3A_92, %masked_cumsum3A_106 : vector<16xi32>
      %sub3A_109 = arith.subi %add3A_108, %broadcast_in_dim3A_19 : vector<16xi32>
      %lt3A = arith.cmpi slt, %sub3A, %broadcast_in_dim3A_21 : vector<16xi32>
      %and3A = arith.andi %eq3A, %lt3A : vector<16xi1>
      %lt3A_110 = arith.cmpi slt, %sub3A_109, %broadcast_in_dim3A_21 : vector<16xi32>
      %and3A_111 = arith.andi %eq3A_100, %lt3A_110 : vector<16xi1>
      tpu.vector_store_idx %arg8[%sub3A], %add3A_99 masked %and3A : memref<192xi32, #tpu.memory_space<vmem>>[vector<16xi32>], vector<16xi32>, vector<16xi1>
      %add3A_112 = arith.addi %sub3A_109, %broadcast_in_dim3A_33 : vector<16xi32>
      tpu.vector_store_idx %arg8[%add3A_112], %add3A_99 masked %and3A_111 : memref<192xi32, #tpu.memory_space<vmem>>[vector<16xi32>], vector<16xi32>, vector<16xi1>
      %min3A = arith.minsi %sub3A, %broadcast_in_dim3A_21 : vector<16xi32>
      %add3A_113 = arith.addi %broadcast_in_dim3A_26, %min3A : vector<16xi32>
      %min3A_114 = arith.minsi %sub3A_109, %broadcast_in_dim3A_21 : vector<16xi32>
      %add3A_115 = arith.addi %broadcast_in_dim3A_31, %min3A_114 : vector<16xi32>
      %select_n3A_116 = arith.select %eq3A_100, %add3A_115, %broadcast_in_dim3A_35 : vector<16xi1>, vector<16xi32>
      %select_n3A_117 = arith.select %eq3A, %add3A_113, %select_n3A_116 : vector<16xi1>, vector<16xi32>
      %swap3A = arith.index_cast %multiple_of3A : i32 to index
      %swap3A_118 = tpu.vector_load %arg7[%swap3A] {strides = array<i32>} : memref<4096xi32, #tpu.memory_space<vmem>>, vector<16xi32>,
      tpu.vector_store %arg7[%swap3A], %select_n3A_117 {strides = array<i32>} : memref<4096xi32, #tpu.memory_space<vmem>>, vector<16xi32>,
      %broadcast_in_dim3A_119 = vector.shape_cast %broadcast_in_dim3A_37 : vector<16xi32> to vector<16x1xi32>
      %gather3A = vector.shape_cast %broadcast_in_dim3A_119 : vector<16x1xi32> to vector<16xi32>
      %gather3A_120 = tpu.dynamic_gather %masked_cumsum3A[%gather3A] in [0] : vector<16xi32>, vector<16xi32> -> vector<16xi32>
      %add3A_121 = arith.addi %scan3A_91, %gather3A_120 : vector<16xi32>
      %broadcast_in_dim3A_122 = vector.shape_cast %broadcast_in_dim3A_37 : vector<16xi32> to vector<16x1xi32>
      %gather3A_123 = vector.shape_cast %broadcast_in_dim3A_122 : vector<16x1xi32> to vector<16xi32>
      %gather3A_124 = tpu.dynamic_gather %masked_cumsum3A_106[%gather3A_123] in [0] : vector<16xi32>, vector<16xi32> -> vector<16xi32>
      %add3A_125 = arith.addi %scan3A_92, %gather3A_124 : vector<16xi32>
      scf.yield %add3A_121, %add3A_125 : vector<16xi32>, vector<16xi32>
    }
    %scan3A_43 = arith.constant 256 : i32
    "tpu.region"() ({
      %run_scoped3A = tpu.sem_alloc : memref<!tpu.dma_semaphore, #tpu.memory_space<semaphore_mem>>
      %dma_start3A_90 = arith.constant 0 : i32
      %dma_start3A_91 = tpu.memref_slice %arg5[%add3A, %dma_start3A_90] : memref<32x4096xi32, #tpu.memory_space<hbm>> -> memref<1x4096xi32, #tpu.memory_space<hbm>>
      %dma_start3A_92 = tpu.memref_squeeze %dma_start3A_91 : memref<1x4096xi32, #tpu.memory_space<hbm>> -> memref<4096xi32, #tpu.memory_space<hbm>>
      %dma_start3A_93 = arith.constant 0 : i32
      %dma_start3A_94 = tpu.memref_slice %arg5[%add3A, %dma_start3A_93] : memref<32x4096xi32, #tpu.memory_space<hbm>> -> memref<1x4096xi32, #tpu.memory_space<hbm>>
      %dma_start3A_95 = tpu.memref_squeeze %dma_start3A_94 : memref<1x4096xi32, #tpu.memory_space<hbm>> -> memref<4096xi32, #tpu.memory_space<hbm>>
      tpu.enqueue_dma source(%arg7 : memref<4096xi32, #tpu.memory_space<vmem>>) target(%dma_start3A_95 : memref<4096xi32, #tpu.memory_space<hbm>>) target_semaphore(%run_scoped3A : memref<!tpu.dma_semaphore, #tpu.memory_space<semaphore_mem>>)
      %dma_wait3A_96 = arith.constant 0 : i32
      %dma_wait3A_97 = tpu.memref_slice %arg5[%add3A, %dma_wait3A_96] : memref<32x4096xi32, #tpu.memory_space<hbm>> -> memref<1x4096xi32, #tpu.memory_space<hbm>>
      %dma_wait3A_98 = tpu.memref_squeeze %dma_wait3A_97 : memref<1x4096xi32, #tpu.memory_space<hbm>> -> memref<4096xi32, #tpu.memory_space<hbm>>
      %dma_wait3A_99 = arith.constant 0 : i32
      %dma_wait3A_100 = tpu.memref_slice %arg5[%add3A, %dma_wait3A_99] : memref<32x4096xi32, #tpu.memory_space<hbm>> -> memref<1x4096xi32, #tpu.memory_space<hbm>>
      %dma_wait3A_101 = tpu.memref_squeeze %dma_wait3A_100 : memref<1x4096xi32, #tpu.memory_space<hbm>> -> memref<4096xi32, #tpu.memory_space<hbm>>
      tpu.wait_dma2 semaphore(%run_scoped3A : memref<!tpu.dma_semaphore, #tpu.memory_space<semaphore_mem>>) src(%arg7 : memref<4096xi32, #tpu.memory_space<vmem>>) dst(%dma_wait3A_101 : memref<4096xi32, #tpu.memory_space<hbm>>)
      tpu.yield
    }) : () -> ()
    %dma_start3A = arith.constant 0 : i32
    %dma_start3A_44 = tpu.memref_slice %arg8[%dma_start3A] : memref<192xi32, #tpu.memory_space<vmem>> -> memref<48xi32, #tpu.memory_space<vmem>>
    %dma_start3A_45 = arith.constant 0 : i32
    %dma_start3A_46 = arith.constant 0 : i32
    %dma_start3A_47 = tpu.memref_slice %arg3[%dma_start3A_45, %dma_start3A_46] : memref<4096x1024xf32, #tpu.memory_space<hbm>> -> memref<4096x1024xf32, #tpu.memory_space<hbm>>
    tpu.enqueue_indirect_dma source(%dma_start3A_47 : memref<4096x1024xf32, #tpu.memory_space<hbm>>) target(%arg9 : memref<48x1024xf32, #tpu.memory_space<vmem>>) offsets(%dma_start3A_44 : memref<48xi32, #tpu.memory_space<vmem>>) semaphore(%arg11 : memref<!tpu.dma_semaphore, #tpu.memory_space<semaphore_mem>>)
    %dma_start3A_48 = arith.constant 48 : i32
    %dma_start3A_49 = tpu.memref_slice %arg8[%dma_start3A_48] : memref<192xi32, #tpu.memory_space<vmem>> -> memref<48xi32, #tpu.memory_space<vmem>>
    %dma_start3A_50 = arith.constant 0 : i32
    %dma_start3A_51 = arith.constant 0 : i32
    %dma_start3A_52 = tpu.memref_slice %arg3[%dma_start3A_50, %dma_start3A_51] : memref<4096x1024xf32, #tpu.memory_space<hbm>> -> memref<4096x1024xf32, #tpu.memory_space<hbm>>
    tpu.enqueue_indirect_dma source(%dma_start3A_52 : memref<4096x1024xf32, #tpu.memory_space<hbm>>) target(%arg10 : memref<48x1024xf32, #tpu.memory_space<vmem>>) offsets(%dma_start3A_49 : memref<48xi32, #tpu.memory_space<vmem>>) semaphore(%arg12 : memref<!tpu.dma_semaphore, #tpu.memory_space<semaphore_mem>>)
    %dma_wait3A = arith.constant 0 : i32
    %dma_wait3A_53 = tpu.memref_slice %arg8[%dma_wait3A] : memref<192xi32, #tpu.memory_space<vmem>> -> memref<48xi32, #tpu.memory_space<vmem>>
    %dma_wait3A_54 = arith.constant 0 : i32
    %dma_wait3A_55 = arith.constant 0 : i32
    %dma_wait3A_56 = tpu.memref_slice %arg3[%dma_wait3A_54, %dma_wait3A_55] : memref<4096x1024xf32, #tpu.memory_space<hbm>> -> memref<4096x1024xf32, #tpu.memory_space<hbm>>
    tpu.wait_indirect_dma semaphore(%arg11 : memref<!tpu.dma_semaphore, #tpu.memory_space<semaphore_mem>>) src(%dma_wait3A_56 : memref<4096x1024xf32, #tpu.memory_space<hbm>>) dst(%arg9 : memref<48x1024xf32, #tpu.memory_space<vmem>>)
    %add3A_57 = arith.constant 0 : i32
    %add3A_58 = arith.addi %mul3A_2, %add3A_57 : i32
    "tpu.region"() ({
      %run_scoped3A = tpu.sem_alloc : memref<!tpu.dma_semaphore, #tpu.memory_space<semaphore_mem>>
      %dma_start3A_90 = arith.constant 0 : i32
      %dma_start3A_91 = tpu.memref_slice %arg4[%add3A_58, %dma_start3A_90] : memref<6144x1024xf32, #tpu.memory_space<hbm>> -> memref<48x1024xf32, #tpu.memory_space<hbm>>
      %dma_start3A_92 = arith.constant 0 : i32
      %dma_start3A_93 = tpu.memref_slice %arg4[%add3A_58, %dma_start3A_92] : memref<6144x1024xf32, #tpu.memory_space<hbm>> -> memref<48x1024xf32, #tpu.memory_space<hbm>>
      tpu.enqueue_dma source(%arg9 : memref<48x1024xf32, #tpu.memory_space<vmem>>) target(%dma_start3A_93 : memref<48x1024xf32, #tpu.memory_space<hbm>>) target_semaphore(%run_scoped3A : memref<!tpu.dma_semaphore, #tpu.memory_space<semaphore_mem>>)
      %dma_wait3A_94 = arith.constant 0 : i32
      %dma_wait3A_95 = tpu.memref_slice %arg4[%add3A_58, %dma_wait3A_94] : memref<6144x1024xf32, #tpu.memory_space<hbm>> -> memref<48x1024xf32, #tpu.memory_space<hbm>>
      %dma_wait3A_96 = arith.constant 0 : i32
      %dma_wait3A_97 = tpu.memref_slice %arg4[%add3A_58, %dma_wait3A_96] : memref<6144x1024xf32, #tpu.memory_space<hbm>> -> memref<48x1024xf32, #tpu.memory_space<hbm>>
      tpu.wait_dma2 semaphore(%run_scoped3A : memref<!tpu.dma_semaphore, #tpu.memory_space<semaphore_mem>>) src(%arg9 : memref<48x1024xf32, #tpu.memory_space<vmem>>) dst(%dma_wait3A_97 : memref<48x1024xf32, #tpu.memory_space<hbm>>)
      tpu.yield
    }) : () -> ()
    %dma_start3A_59 = arith.constant 96 : i32
    %dma_start3A_60 = tpu.memref_slice %arg8[%dma_start3A_59] : memref<192xi32, #tpu.memory_space<vmem>> -> memref<48xi32, #tpu.memory_space<vmem>>
    %dma_start3A_61 = arith.constant 0 : i32
    %dma_start3A_62 = arith.constant 0 : i32
    %dma_start3A_63 = tpu.memref_slice %arg3[%dma_start3A_61, %dma_start3A_62] : memref<4096x1024xf32, #tpu.memory_space<hbm>> -> memref<4096x1024xf32, #tpu.memory_space<hbm>>
    tpu.enqueue_indirect_dma source(%dma_start3A_63 : memref<4096x1024xf32, #tpu.memory_space<hbm>>) target(%arg9 : memref<48x1024xf32, #tpu.memory_space<vmem>>) offsets(%dma_start3A_60 : memref<48xi32, #tpu.memory_space<vmem>>) semaphore(%arg11 : memref<!tpu.dma_semaphore, #tpu.memory_space<semaphore_mem>>)
    %dma_wait3A_64 = arith.constant 48 : i32
    %dma_wait3A_65 = tpu.memref_slice %arg8[%dma_wait3A_64] : memref<192xi32, #tpu.memory_space<vmem>> -> memref<48xi32, #tpu.memory_space<vmem>>
    %dma_wait3A_66 = arith.constant 0 : i32
    %dma_wait3A_67 = arith.constant 0 : i32
    %dma_wait3A_68 = tpu.memref_slice %arg3[%dma_wait3A_66, %dma_wait3A_67] : memref<4096x1024xf32, #tpu.memory_space<hbm>> -> memref<4096x1024xf32, #tpu.memory_space<hbm>>
    tpu.wait_indirect_dma semaphore(%arg12 : memref<!tpu.dma_semaphore, #tpu.memory_space<semaphore_mem>>) src(%dma_wait3A_68 : memref<4096x1024xf32, #tpu.memory_space<hbm>>) dst(%arg10 : memref<48x1024xf32, #tpu.memory_space<vmem>>)
    %add3A_69 = arith.constant 48 : i32
    %add3A_70 = arith.addi %mul3A_2, %add3A_69 : i32
    "tpu.region"() ({
      %run_scoped3A = tpu.sem_alloc : memref<!tpu.dma_semaphore, #tpu.memory_space<semaphore_mem>>
      %dma_start3A_90 = arith.constant 0 : i32
      %dma_start3A_91 = tpu.memref_slice %arg4[%add3A_70, %dma_start3A_90] : memref<6144x1024xf32, #tpu.memory_space<hbm>> -> memref<48x1024xf32, #tpu.memory_space<hbm>>
      %dma_start3A_92 = arith.constant 0 : i32
      %dma_start3A_93 = tpu.memref_slice %arg4[%add3A_70, %dma_start3A_92] : memref<6144x1024xf32, #tpu.memory_space<hbm>> -> memref<48x1024xf32, #tpu.memory_space<hbm>>
      tpu.enqueue_dma source(%arg10 : memref<48x1024xf32, #tpu.memory_space<vmem>>) target(%dma_start3A_93 : memref<48x1024xf32, #tpu.memory_space<hbm>>) target_semaphore(%run_scoped3A : memref<!tpu.dma_semaphore, #tpu.memory_space<semaphore_mem>>)
      %dma_wait3A_94 = arith.constant 0 : i32
      %dma_wait3A_95 = tpu.memref_slice %arg4[%add3A_70, %dma_wait3A_94] : memref<6144x1024xf32, #tpu.memory_space<hbm>> -> memref<48x1024xf32, #tpu.memory_space<hbm>>
      %dma_wait3A_96 = arith.constant 0 : i32
      %dma_wait3A_97 = tpu.memref_slice %arg4[%add3A_70, %dma_wait3A_96] : memref<6144x1024xf32, #tpu.memory_space<hbm>> -> memref<48x1024xf32, #tpu.memory_space<hbm>>
      tpu.wait_dma2 semaphore(%run_scoped3A : memref<!tpu.dma_semaphore, #tpu.memory_space<semaphore_mem>>) src(%arg10 : memref<48x1024xf32, #tpu.memory_space<vmem>>) dst(%dma_wait3A_97 : memref<48x1024xf32, #tpu.memory_space<hbm>>)
      tpu.yield
    }) : () -> ()
    %dma_start3A_71 = arith.constant 144 : i32
    %dma_start3A_72 = tpu.memref_slice %arg8[%dma_start3A_71] : memref<192xi32, #tpu.memory_space<vmem>> -> memref<48xi32, #tpu.memory_space<vmem>>
    %dma_start3A_73 = arith.constant 0 : i32
    %dma_start3A_74 = arith.constant 0 : i32
    %dma_start3A_75 = tpu.memref_slice %arg3[%dma_start3A_73, %dma_start3A_74] : memref<4096x1024xf32, #tpu.memory_space<hbm>> -> memref<4096x1024xf32, #tpu.memory_space<hbm>>
    tpu.enqueue_indirect_dma source(%dma_start3A_75 : memref<4096x1024xf32, #tpu.memory_space<hbm>>) target(%arg10 : memref<48x1024xf32, #tpu.memory_space<vmem>>) offsets(%dma_start3A_72 : memref<48xi32, #tpu.memory_space<vmem>>) semaphore(%arg12 : memref<!tpu.dma_semaphore, #tpu.memory_space<semaphore_mem>>)
    %dma_wait3A_76 = arith.constant 96 : i32
    %dma_wait3A_77 = tpu.memref_slice %arg8[%dma_wait3A_76] : memref<192xi32, #tpu.memory_space<vmem>> -> memref<48xi32, #tpu.memory_space<vmem>>
    %dma_wait3A_78 = arith.constant 0 : i32
    %dma_wait3A_79 = arith.constant 0 : i32
    %dma_wait3A_80 = tpu.memref_slice %arg3[%dma_wait3A_78, %dma_wait3A_79] : memref<4096x1024xf32, #tpu.memory_space<hbm>> -> memref<4096x1024xf32, #tpu.memory_space<hbm>>
    tpu.wait_indirect_dma semaphore(%arg11 : memref<!tpu.dma_semaphore, #tpu.memory_space<semaphore_mem>>) src(%dma_wait3A_80 : memref<4096x1024xf32, #tpu.memory_space<hbm>>) dst(%arg9 : memref<48x1024xf32, #tpu.memory_space<vmem>>)
    %add3A_81 = arith.constant 96 : i32
    %add3A_82 = arith.addi %mul3A_2, %add3A_81 : i32
    "tpu.region"() ({
      %run_scoped3A = tpu.sem_alloc : memref<!tpu.dma_semaphore, #tpu.memory_space<semaphore_mem>>
      %dma_start3A_90 = arith.constant 0 : i32
      %dma_start3A_91 = tpu.memref_slice %arg4[%add3A_82, %dma_start3A_90] : memref<6144x1024xf32, #tpu.memory_space<hbm>> -> memref<48x1024xf32, #tpu.memory_space<hbm>>
      %dma_start3A_92 = arith.constant 0 : i32
      %dma_start3A_93 = tpu.memref_slice %arg4[%add3A_82, %dma_start3A_92] : memref<6144x1024xf32, #tpu.memory_space<hbm>> -> memref<48x1024xf32, #tpu.memory_space<hbm>>
      tpu.enqueue_dma source(%arg9 : memref<48x1024xf32, #tpu.memory_space<vmem>>) target(%dma_start3A_93 : memref<48x1024xf32, #tpu.memory_space<hbm>>) target_semaphore(%run_scoped3A : memref<!tpu.dma_semaphore, #tpu.memory_space<semaphore_mem>>)
      %dma_wait3A_94 = arith.constant 0 : i32
      %dma_wait3A_95 = tpu.memref_slice %arg4[%add3A_82, %dma_wait3A_94] : memref<6144x1024xf32, #tpu.memory_space<hbm>> -> memref<48x1024xf32, #tpu.memory_space<hbm>>
      %dma_wait3A_96 = arith.constant 0 : i32
      %dma_wait3A_97 = tpu.memref_slice %arg4[%add3A_82, %dma_wait3A_96] : memref<6144x1024xf32, #tpu.memory_space<hbm>> -> memref<48x1024xf32, #tpu.memory_space<hbm>>
      tpu.wait_dma2 semaphore(%run_scoped3A : memref<!tpu.dma_semaphore, #tpu.memory_space<semaphore_mem>>) src(%arg9 : memref<48x1024xf32, #tpu.memory_space<vmem>>) dst(%dma_wait3A_97 : memref<48x1024xf32, #tpu.memory_space<hbm>>)
      tpu.yield
    }) : () -> ()
    %dma_wait3A_83 = arith.constant 144 : i32
    %dma_wait3A_84 = tpu.memref_slice %arg8[%dma_wait3A_83] : memref<192xi32, #tpu.memory_space<vmem>> -> memref<48xi32, #tpu.memory_space<vmem>>
    %dma_wait3A_85 = arith.constant 0 : i32
    %dma_wait3A_86 = arith.constant 0 : i32
    %dma_wait3A_87 = tpu.memref_slice %arg3[%dma_wait3A_85, %dma_wait3A_86] : memref<4096x1024xf32, #tpu.memory_space<hbm>> -> memref<4096x1024xf32, #tpu.memory_space<hbm>>
    tpu.wait_indirect_dma semaphore(%arg12 : memref<!tpu.dma_semaphore, #tpu.memory_space<semaphore_mem>>) src(%dma_wait3A_87 : memref<4096x1024xf32, #tpu.memory_space<hbm>>) dst(%arg10 : memref<48x1024xf32, #tpu.memory_space<vmem>>)
    %add3A_88 = arith.constant 144 : i32
    %add3A_89 = arith.addi %mul3A_2, %add3A_88 : i32
    "tpu.region"() ({
      %run_scoped3A = tpu.sem_alloc : memref<!tpu.dma_semaphore, #tpu.memory_space<semaphore_mem>>
      %dma_start3A_90 = arith.constant 0 : i32
      %dma_start3A_91 = tpu.memref_slice %arg4[%add3A_89, %dma_start3A_90] : memref<6144x1024xf32, #tpu.memory_space<hbm>> -> memref<48x1024xf32, #tpu.memory_space<hbm>>
      %dma_start3A_92 = arith.constant 0 : i32
      %dma_start3A_93 = tpu.memref_slice %arg4[%add3A_89, %dma_start3A_92] : memref<6144x1024xf32, #tpu.memory_space<hbm>> -> memref<48x1024xf32, #tpu.memory_space<hbm>>
      tpu.enqueue_dma source(%arg10 : memref<48x1024xf32, #tpu.memory_space<vmem>>) target(%dma_start3A_93 : memref<48x1024xf32, #tpu.memory_space<hbm>>) target_semaphore(%run_scoped3A : memref<!tpu.dma_semaphore, #tpu.memory_space<semaphore_mem>>)
      %dma_wait3A_94 = arith.constant 0 : i32
      %dma_wait3A_95 = tpu.memref_slice %arg4[%add3A_89, %dma_wait3A_94] : memref<6144x1024xf32, #tpu.memory_space<hbm>> -> memref<48x1024xf32, #tpu.memory_space<hbm>>
      %dma_wait3A_96 = arith.constant 0 : i32
      %dma_wait3A_97 = tpu.memref_slice %arg4[%add3A_89, %dma_wait3A_96] : memref<6144x1024xf32, #tpu.memory_space<hbm>> -> memref<48x1024xf32, #tpu.memory_space<hbm>>
      tpu.wait_dma2 semaphore(%run_scoped3A : memref<!tpu.dma_semaphore, #tpu.memory_space<semaphore_mem>>) src(%arg10 : memref<48x1024xf32, #tpu.memory_space<vmem>>) dst(%dma_wait3A_97 : memref<48x1024xf32, #tpu.memory_space<hbm>>)
      tpu.yield
    }) : () -> ()
    return
  }
}

#map = affine_map<(d0, d1) -> (0, 0)>
module attributes {stable_mosaic.version = 14 : i64} {
  func.func @combine(%arg0: i32, %arg1: i32, %arg2: memref<6144x1024xf32, #tpu.memory_space<hbm>>, %arg3: memref<32x4096xi32, #tpu.memory_space<hbm>>, %arg4: memref<4096x1024xf32, #tpu.memory_space<hbm>>, %arg5: memref<32x128xi32, #tpu.memory_space<vmem>>, %arg6: memref<128xi32, #tpu.memory_space<vmem>>, %arg7: memref<32x1024xf32, #tpu.memory_space<vmem>>, %arg8: memref<32x1024xf32, #tpu.memory_space<vmem>>, %arg9: memref<!tpu.dma_semaphore, #tpu.memory_space<semaphore_mem>>, %arg10: memref<!tpu.dma_semaphore, #tpu.memory_space<semaphore_mem>>) attributes {dimension_semantics = [#tpu.dimension_semantics<core_parallel>, #tpu.dimension_semantics<subcore_parallel>], iteration_bounds = array<i64: 2, 16>, scalar_prefetch = 0 : i64, scratch_operands = 6 : i64, tpu.core_type = #tpu.core_type<sc_vector_subcore>, window_params = [{transform_indices = #map}, {transform_indices = #map}, {transform_indices = #map}]} {
    %mul3A = arith.constant 2 : i32
    %mul3A_0 = arith.muli %arg1, %mul3A : i32
    %add3A = arith.addi %mul3A_0, %arg0 : i32
    %mul3A_1 = arith.constant 128 : i32
    %mul3A_2 = arith.muli %add3A, %mul3A_1 : i32
    "tpu.region"() ({
      %run_scoped3A = tpu.sem_alloc : memref<!tpu.dma_semaphore, #tpu.memory_space<semaphore_mem>>
      %dma_start3A_55 = arith.constant 0 : i32
      %dma_start3A_56 = tpu.memref_slice %arg3[%dma_start3A_55, %mul3A_2] : memref<32x4096xi32, #tpu.memory_space<hbm>> -> memref<32x128xi32, #tpu.memory_space<hbm>>
      %dma_start3A_57 = arith.constant 0 : i32
      %dma_start3A_58 = tpu.memref_slice %arg3[%dma_start3A_57, %mul3A_2] : memref<32x4096xi32, #tpu.memory_space<hbm>> -> memref<32x128xi32, #tpu.memory_space<hbm>>
      tpu.enqueue_dma source(%dma_start3A_58 : memref<32x128xi32, #tpu.memory_space<hbm>>) target(%arg5 : memref<32x128xi32, #tpu.memory_space<vmem>>) target_semaphore(%run_scoped3A : memref<!tpu.dma_semaphore, #tpu.memory_space<semaphore_mem>>)
      %dma_wait3A_59 = arith.constant 0 : i32
      %dma_wait3A_60 = tpu.memref_slice %arg3[%dma_wait3A_59, %mul3A_2] : memref<32x4096xi32, #tpu.memory_space<hbm>> -> memref<32x128xi32, #tpu.memory_space<hbm>>
      %dma_wait3A_61 = arith.constant 0 : i32
      %dma_wait3A_62 = tpu.memref_slice %arg3[%dma_wait3A_61, %mul3A_2] : memref<32x4096xi32, #tpu.memory_space<hbm>> -> memref<32x128xi32, #tpu.memory_space<hbm>>
      tpu.wait_dma2 semaphore(%run_scoped3A : memref<!tpu.dma_semaphore, #tpu.memory_space<semaphore_mem>>) src(%dma_wait3A_62 : memref<32x128xi32, #tpu.memory_space<hbm>>) dst(%arg5 : memref<32x128xi32, #tpu.memory_space<vmem>>)
      tpu.yield
    }) : () -> ()
    %scan3A = arith.constant 0 : i32
    %scan3A_3 = arith.constant 0 : i32
    %scan3A_4 = arith.constant 8 : i32
    %scan3A_5 = arith.addi %scan3A_3, %scan3A_4 : i32
    %scan3A_6 = arith.constant 1 : i32
    %scan3A_7 = scf.for %scan3A_55 = %scan3A_3 to %scan3A_5 step %scan3A_6 iter_args(%scan3A_56 = %scan3A) -> (i32)  : i32 {
      %mul3A_57 = arith.constant 16 : i32
      %mul3A_58 = arith.muli %scan3A_55, %mul3A_57 : i32
      %multiple_of3A = tpu.assume_multiple %mul3A_58, 16 : i32
      %broadcast_in_dim3A = arith.constant -1 : i32
      %broadcast_in_dim3A_59 = vector.broadcast %broadcast_in_dim3A : i32 to vector<16xi32>
      %get3A = arith.constant 0 : i32
      %get3A_60 = arith.index_cast %get3A : i32 to index
      %get3A_61 = arith.index_cast %multiple_of3A : i32 to index
      %get3A_62 = tpu.vector_load %arg5[%get3A_60, %get3A_61] {strides = array<i32>} : memref<32x128xi32, #tpu.memory_space<vmem>>, vector<16xi32>,
      %add3A_63 = arith.addi %broadcast_in_dim3A_59, %get3A_62 : vector<16xi32>
      %get3A_64 = arith.constant 1 : i32
      %get3A_65 = arith.index_cast %get3A_64 : i32 to index
      %get3A_66 = arith.index_cast %multiple_of3A : i32 to index
      %get3A_67 = tpu.vector_load %arg5[%get3A_65, %get3A_66] {strides = array<i32>} : memref<32x128xi32, #tpu.memory_space<vmem>>, vector<16xi32>,
      %add3A_68 = arith.addi %add3A_63, %get3A_67 : vector<16xi32>
      %get3A_69 = arith.constant 2 : i32
      %get3A_70 = arith.index_cast %get3A_69 : i32 to index
      %get3A_71 = arith.index_cast %multiple_of3A : i32 to index
      %get3A_72 = tpu.vector_load %arg5[%get3A_70, %get3A_71] {strides = array<i32>} : memref<32x128xi32, #tpu.memory_space<vmem>>, vector<16xi32>,
      %add3A_73 = arith.addi %add3A_68, %get3A_72 : vector<16xi32>
      %get3A_74 = arith.constant 3 : i32
      %get3A_75 = arith.index_cast %get3A_74 : i32 to index
      %get3A_76 = arith.index_cast %multiple_of3A : i32 to index
      %get3A_77 = tpu.vector_load %arg5[%get3A_75, %get3A_76] {strides = array<i32>} : memref<32x128xi32, #tpu.memory_space<vmem>>, vector<16xi32>,
      %add3A_78 = arith.addi %add3A_73, %get3A_77 : vector<16xi32>
      %get3A_79 = arith.constant 4 : i32
      %get3A_80 = arith.index_cast %get3A_79 : i32 to index
      %get3A_81 = arith.index_cast %multiple_of3A : i32 to index
      %get3A_82 = tpu.vector_load %arg5[%get3A_80, %get3A_81] {strides = array<i32>} : memref<32x128xi32, #tpu.memory_space<vmem>>, vector<16xi32>,
      %add3A_83 = arith.addi %add3A_78, %get3A_82 : vector<16xi32>
      %get3A_84 = arith.constant 5 : i32
      %get3A_85 = arith.index_cast %get3A_84 : i32 to index
      %get3A_86 = arith.index_cast %multiple_of3A : i32 to index
      %get3A_87 = tpu.vector_load %arg5[%get3A_85, %get3A_86] {strides = array<i32>} : memref<32x128xi32, #tpu.memory_space<vmem>>, vector<16xi32>,
      %add3A_88 = arith.addi %add3A_83, %get3A_87 : vector<16xi32>
      %get3A_89 = arith.constant 6 : i32
      %get3A_90 = arith.index_cast %get3A_89 : i32 to index
      %get3A_91 = arith.index_cast %multiple_of3A : i32 to index
      %get3A_92 = tpu.vector_load %arg5[%get3A_90, %get3A_91] {strides = array<i32>} : memref<32x128xi32, #tpu.memory_space<vmem>>, vector<16xi32>,
      %add3A_93 = arith.addi %add3A_88, %get3A_92 : vector<16xi32>
      %get3A_94 = arith.constant 7 : i32
      %get3A_95 = arith.index_cast %get3A_94 : i32 to index
      %get3A_96 = arith.index_cast %multiple_of3A : i32 to index
      %get3A_97 = tpu.vector_load %arg5[%get3A_95, %get3A_96] {strides = array<i32>} : memref<32x128xi32, #tpu.memory_space<vmem>>, vector<16xi32>,
      %add3A_98 = arith.addi %add3A_93, %get3A_97 : vector<16xi32>
      %get3A_99 = arith.constant 8 : i32
      %get3A_100 = arith.index_cast %get3A_99 : i32 to index
      %get3A_101 = arith.index_cast %multiple_of3A : i32 to index
      %get3A_102 = tpu.vector_load %arg5[%get3A_100, %get3A_101] {strides = array<i32>} : memref<32x128xi32, #tpu.memory_space<vmem>>, vector<16xi32>,
      %add3A_103 = arith.addi %add3A_98, %get3A_102 : vector<16xi32>
      %get3A_104 = arith.constant 9 : i32
      %get3A_105 = arith.index_cast %get3A_104 : i32 to index
      %get3A_106 = arith.index_cast %multiple_of3A : i32 to index
      %get3A_107 = tpu.vector_load %arg5[%get3A_105, %get3A_106] {strides = array<i32>} : memref<32x128xi32, #tpu.memory_space<vmem>>, vector<16xi32>,
      %add3A_108 = arith.addi %add3A_103, %get3A_107 : vector<16xi32>
      %get3A_109 = arith.constant 10 : i32
      %get3A_110 = arith.index_cast %get3A_109 : i32 to index
      %get3A_111 = arith.index_cast %multiple_of3A : i32 to index
      %get3A_112 = tpu.vector_load %arg5[%get3A_110, %get3A_111] {strides = array<i32>} : memref<32x128xi32, #tpu.memory_space<vmem>>, vector<16xi32>,
      %add3A_113 = arith.addi %add3A_108, %get3A_112 : vector<16xi32>
      %get3A_114 = arith.constant 11 : i32
      %get3A_115 = arith.index_cast %get3A_114 : i32 to index
      %get3A_116 = arith.index_cast %multiple_of3A : i32 to index
      %get3A_117 = tpu.vector_load %arg5[%get3A_115, %get3A_116] {strides = array<i32>} : memref<32x128xi32, #tpu.memory_space<vmem>>, vector<16xi32>,
      %add3A_118 = arith.addi %add3A_113, %get3A_117 : vector<16xi32>
      %get3A_119 = arith.constant 12 : i32
      %get3A_120 = arith.index_cast %get3A_119 : i32 to index
      %get3A_121 = arith.index_cast %multiple_of3A : i32 to index
      %get3A_122 = tpu.vector_load %arg5[%get3A_120, %get3A_121] {strides = array<i32>} : memref<32x128xi32, #tpu.memory_space<vmem>>, vector<16xi32>,
      %add3A_123 = arith.addi %add3A_118, %get3A_122 : vector<16xi32>
      %get3A_124 = arith.constant 13 : i32
      %get3A_125 = arith.index_cast %get3A_124 : i32 to index
      %get3A_126 = arith.index_cast %multiple_of3A : i32 to index
      %get3A_127 = tpu.vector_load %arg5[%get3A_125, %get3A_126] {strides = array<i32>} : memref<32x128xi32, #tpu.memory_space<vmem>>, vector<16xi32>,
      %add3A_128 = arith.addi %add3A_123, %get3A_127 : vector<16xi32>
      %get3A_129 = arith.constant 14 : i32
      %get3A_130 = arith.index_cast %get3A_129 : i32 to index
      %get3A_131 = arith.index_cast %multiple_of3A : i32 to index
      %get3A_132 = tpu.vector_load %arg5[%get3A_130, %get3A_131] {strides = array<i32>} : memref<32x128xi32, #tpu.memory_space<vmem>>, vector<16xi32>,
      %add3A_133 = arith.addi %add3A_128, %get3A_132 : vector<16xi32>
      %get3A_134 = arith.constant 15 : i32
      %get3A_135 = arith.index_cast %get3A_134 : i32 to index
      %get3A_136 = arith.index_cast %multiple_of3A : i32 to index
      %get3A_137 = tpu.vector_load %arg5[%get3A_135, %get3A_136] {strides = array<i32>} : memref<32x128xi32, #tpu.memory_space<vmem>>, vector<16xi32>,
      %add3A_138 = arith.addi %add3A_133, %get3A_137 : vector<16xi32>
      %get3A_139 = arith.constant 16 : i32
      %get3A_140 = arith.index_cast %get3A_139 : i32 to index
      %get3A_141 = arith.index_cast %multiple_of3A : i32 to index
      %get3A_142 = tpu.vector_load %arg5[%get3A_140, %get3A_141] {strides = array<i32>} : memref<32x128xi32, #tpu.memory_space<vmem>>, vector<16xi32>,
      %add3A_143 = arith.addi %add3A_138, %get3A_142 : vector<16xi32>
      %get3A_144 = arith.constant 17 : i32
      %get3A_145 = arith.index_cast %get3A_144 : i32 to index
      %get3A_146 = arith.index_cast %multiple_of3A : i32 to index
      %get3A_147 = tpu.vector_load %arg5[%get3A_145, %get3A_146] {strides = array<i32>} : memref<32x128xi32, #tpu.memory_space<vmem>>, vector<16xi32>,
      %add3A_148 = arith.addi %add3A_143, %get3A_147 : vector<16xi32>
      %get3A_149 = arith.constant 18 : i32
      %get3A_150 = arith.index_cast %get3A_149 : i32 to index
      %get3A_151 = arith.index_cast %multiple_of3A : i32 to index
      %get3A_152 = tpu.vector_load %arg5[%get3A_150, %get3A_151] {strides = array<i32>} : memref<32x128xi32, #tpu.memory_space<vmem>>, vector<16xi32>,
      %add3A_153 = arith.addi %add3A_148, %get3A_152 : vector<16xi32>
      %get3A_154 = arith.constant 19 : i32
      %get3A_155 = arith.index_cast %get3A_154 : i32 to index
      %get3A_156 = arith.index_cast %multiple_of3A : i32 to index
      %get3A_157 = tpu.vector_load %arg5[%get3A_155, %get3A_156] {strides = array<i32>} : memref<32x128xi32, #tpu.memory_space<vmem>>, vector<16xi32>,
      %add3A_158 = arith.addi %add3A_153, %get3A_157 : vector<16xi32>
      %get3A_159 = arith.constant 20 : i32
      %get3A_160 = arith.index_cast %get3A_159 : i32 to index
      %get3A_161 = arith.index_cast %multiple_of3A : i32 to index
      %get3A_162 = tpu.vector_load %arg5[%get3A_160, %get3A_161] {strides = array<i32>} : memref<32x128xi32, #tpu.memory_space<vmem>>, vector<16xi32>,
      %add3A_163 = arith.addi %add3A_158, %get3A_162 : vector<16xi32>
      %get3A_164 = arith.constant 21 : i32
      %get3A_165 = arith.index_cast %get3A_164 : i32 to index
      %get3A_166 = arith.index_cast %multiple_of3A : i32 to index
      %get3A_167 = tpu.vector_load %arg5[%get3A_165, %get3A_166] {strides = array<i32>} : memref<32x128xi32, #tpu.memory_space<vmem>>, vector<16xi32>,
      %add3A_168 = arith.addi %add3A_163, %get3A_167 : vector<16xi32>
      %get3A_169 = arith.constant 22 : i32
      %get3A_170 = arith.index_cast %get3A_169 : i32 to index
      %get3A_171 = arith.index_cast %multiple_of3A : i32 to index
      %get3A_172 = tpu.vector_load %arg5[%get3A_170, %get3A_171] {strides = array<i32>} : memref<32x128xi32, #tpu.memory_space<vmem>>, vector<16xi32>,
      %add3A_173 = arith.addi %add3A_168, %get3A_172 : vector<16xi32>
      %get3A_174 = arith.constant 23 : i32
      %get3A_175 = arith.index_cast %get3A_174 : i32 to index
      %get3A_176 = arith.index_cast %multiple_of3A : i32 to index
      %get3A_177 = tpu.vector_load %arg5[%get3A_175, %get3A_176] {strides = array<i32>} : memref<32x128xi32, #tpu.memory_space<vmem>>, vector<16xi32>,
      %add3A_178 = arith.addi %add3A_173, %get3A_177 : vector<16xi32>
      %get3A_179 = arith.constant 24 : i32
      %get3A_180 = arith.index_cast %get3A_179 : i32 to index
      %get3A_181 = arith.index_cast %multiple_of3A : i32 to index
      %get3A_182 = tpu.vector_load %arg5[%get3A_180, %get3A_181] {strides = array<i32>} : memref<32x128xi32, #tpu.memory_space<vmem>>, vector<16xi32>,
      %add3A_183 = arith.addi %add3A_178, %get3A_182 : vector<16xi32>
      %get3A_184 = arith.constant 25 : i32
      %get3A_185 = arith.index_cast %get3A_184 : i32 to index
      %get3A_186 = arith.index_cast %multiple_of3A : i32 to index
      %get3A_187 = tpu.vector_load %arg5[%get3A_185, %get3A_186] {strides = array<i32>} : memref<32x128xi32, #tpu.memory_space<vmem>>, vector<16xi32>,
      %add3A_188 = arith.addi %add3A_183, %get3A_187 : vector<16xi32>
      %get3A_189 = arith.constant 26 : i32
      %get3A_190 = arith.index_cast %get3A_189 : i32 to index
      %get3A_191 = arith.index_cast %multiple_of3A : i32 to index
      %get3A_192 = tpu.vector_load %arg5[%get3A_190, %get3A_191] {strides = array<i32>} : memref<32x128xi32, #tpu.memory_space<vmem>>, vector<16xi32>,
      %add3A_193 = arith.addi %add3A_188, %get3A_192 : vector<16xi32>
      %get3A_194 = arith.constant 27 : i32
      %get3A_195 = arith.index_cast %get3A_194 : i32 to index
      %get3A_196 = arith.index_cast %multiple_of3A : i32 to index
      %get3A_197 = tpu.vector_load %arg5[%get3A_195, %get3A_196] {strides = array<i32>} : memref<32x128xi32, #tpu.memory_space<vmem>>, vector<16xi32>,
      %add3A_198 = arith.addi %add3A_193, %get3A_197 : vector<16xi32>
      %get3A_199 = arith.constant 28 : i32
      %get3A_200 = arith.index_cast %get3A_199 : i32 to index
      %get3A_201 = arith.index_cast %multiple_of3A : i32 to index
      %get3A_202 = tpu.vector_load %arg5[%get3A_200, %get3A_201] {strides = array<i32>} : memref<32x128xi32, #tpu.memory_space<vmem>>, vector<16xi32>,
      %add3A_203 = arith.addi %add3A_198, %get3A_202 : vector<16xi32>
      %get3A_204 = arith.constant 29 : i32
      %get3A_205 = arith.index_cast %get3A_204 : i32 to index
      %get3A_206 = arith.index_cast %multiple_of3A : i32 to index
      %get3A_207 = tpu.vector_load %arg5[%get3A_205, %get3A_206] {strides = array<i32>} : memref<32x128xi32, #tpu.memory_space<vmem>>, vector<16xi32>,
      %add3A_208 = arith.addi %add3A_203, %get3A_207 : vector<16xi32>
      %get3A_209 = arith.constant 30 : i32
      %get3A_210 = arith.index_cast %get3A_209 : i32 to index
      %get3A_211 = arith.index_cast %multiple_of3A : i32 to index
      %get3A_212 = tpu.vector_load %arg5[%get3A_210, %get3A_211] {strides = array<i32>} : memref<32x128xi32, #tpu.memory_space<vmem>>, vector<16xi32>,
      %add3A_213 = arith.addi %add3A_208, %get3A_212 : vector<16xi32>
      %get3A_214 = arith.constant 31 : i32
      %get3A_215 = arith.index_cast %get3A_214 : i32 to index
      %get3A_216 = arith.index_cast %multiple_of3A : i32 to index
      %get3A_217 = tpu.vector_load %arg5[%get3A_215, %get3A_216] {strides = array<i32>} : memref<32x128xi32, #tpu.memory_space<vmem>>, vector<16xi32>,
      %add3A_218 = arith.addi %add3A_213, %get3A_217 : vector<16xi32>
      %swap3A = arith.index_cast %multiple_of3A : i32 to index
      %swap3A_219 = tpu.vector_load %arg6[%swap3A] {strides = array<i32>} : memref<128xi32, #tpu.memory_space<vmem>>, vector<16xi32>,
      tpu.vector_store %arg6[%swap3A], %add3A_218 {strides = array<i32>} : memref<128xi32, #tpu.memory_space<vmem>>, vector<16xi32>,
      %scan3A_220 = arith.constant 0 : i32
      scf.yield %scan3A_220 : i32
    }
    %scan3A_8 = arith.constant 8 : i32
    %dma_start3A = arith.constant 0 : i32
    %dma_start3A_9 = tpu.memref_slice %arg6[%dma_start3A] : memref<128xi32, #tpu.memory_space<vmem>> -> memref<32xi32, #tpu.memory_space<vmem>>
    %dma_start3A_10 = arith.constant 0 : i32
    %dma_start3A_11 = arith.constant 0 : i32
    %dma_start3A_12 = tpu.memref_slice %arg2[%dma_start3A_10, %dma_start3A_11] : memref<6144x1024xf32, #tpu.memory_space<hbm>> -> memref<6144x1024xf32, #tpu.memory_space<hbm>>
    tpu.enqueue_indirect_dma source(%dma_start3A_12 : memref<6144x1024xf32, #tpu.memory_space<hbm>>) target(%arg7 : memref<32x1024xf32, #tpu.memory_space<vmem>>) offsets(%dma_start3A_9 : memref<32xi32, #tpu.memory_space<vmem>>) semaphore(%arg9 : memref<!tpu.dma_semaphore, #tpu.memory_space<semaphore_mem>>)
    %dma_start3A_13 = arith.constant 32 : i32
    %dma_start3A_14 = tpu.memref_slice %arg6[%dma_start3A_13] : memref<128xi32, #tpu.memory_space<vmem>> -> memref<32xi32, #tpu.memory_space<vmem>>
    %dma_start3A_15 = arith.constant 0 : i32
    %dma_start3A_16 = arith.constant 0 : i32
    %dma_start3A_17 = tpu.memref_slice %arg2[%dma_start3A_15, %dma_start3A_16] : memref<6144x1024xf32, #tpu.memory_space<hbm>> -> memref<6144x1024xf32, #tpu.memory_space<hbm>>
    tpu.enqueue_indirect_dma source(%dma_start3A_17 : memref<6144x1024xf32, #tpu.memory_space<hbm>>) target(%arg8 : memref<32x1024xf32, #tpu.memory_space<vmem>>) offsets(%dma_start3A_14 : memref<32xi32, #tpu.memory_space<vmem>>) semaphore(%arg10 : memref<!tpu.dma_semaphore, #tpu.memory_space<semaphore_mem>>)
    %dma_wait3A = arith.constant 0 : i32
    %dma_wait3A_18 = tpu.memref_slice %arg6[%dma_wait3A] : memref<128xi32, #tpu.memory_space<vmem>> -> memref<32xi32, #tpu.memory_space<vmem>>
    %dma_wait3A_19 = arith.constant 0 : i32
    %dma_wait3A_20 = arith.constant 0 : i32
    %dma_wait3A_21 = tpu.memref_slice %arg2[%dma_wait3A_19, %dma_wait3A_20] : memref<6144x1024xf32, #tpu.memory_space<hbm>> -> memref<6144x1024xf32, #tpu.memory_space<hbm>>
    tpu.wait_indirect_dma semaphore(%arg9 : memref<!tpu.dma_semaphore, #tpu.memory_space<semaphore_mem>>) src(%dma_wait3A_21 : memref<6144x1024xf32, #tpu.memory_space<hbm>>) dst(%arg7 : memref<32x1024xf32, #tpu.memory_space<vmem>>)
    %add3A_22 = arith.constant 0 : i32
    %add3A_23 = arith.addi %mul3A_2, %add3A_22 : i32
    "tpu.region"() ({
      %run_scoped3A = tpu.sem_alloc : memref<!tpu.dma_semaphore, #tpu.memory_space<semaphore_mem>>
      %dma_start3A_55 = arith.constant 0 : i32
      %dma_start3A_56 = tpu.memref_slice %arg4[%add3A_23, %dma_start3A_55] : memref<4096x1024xf32, #tpu.memory_space<hbm>> -> memref<32x1024xf32, #tpu.memory_space<hbm>>
      %dma_start3A_57 = arith.constant 0 : i32
      %dma_start3A_58 = tpu.memref_slice %arg4[%add3A_23, %dma_start3A_57] : memref<4096x1024xf32, #tpu.memory_space<hbm>> -> memref<32x1024xf32, #tpu.memory_space<hbm>>
      tpu.enqueue_dma source(%arg7 : memref<32x1024xf32, #tpu.memory_space<vmem>>) target(%dma_start3A_58 : memref<32x1024xf32, #tpu.memory_space<hbm>>) target_semaphore(%run_scoped3A : memref<!tpu.dma_semaphore, #tpu.memory_space<semaphore_mem>>)
      %dma_wait3A_59 = arith.constant 0 : i32
      %dma_wait3A_60 = tpu.memref_slice %arg4[%add3A_23, %dma_wait3A_59] : memref<4096x1024xf32, #tpu.memory_space<hbm>> -> memref<32x1024xf32, #tpu.memory_space<hbm>>
      %dma_wait3A_61 = arith.constant 0 : i32
      %dma_wait3A_62 = tpu.memref_slice %arg4[%add3A_23, %dma_wait3A_61] : memref<4096x1024xf32, #tpu.memory_space<hbm>> -> memref<32x1024xf32, #tpu.memory_space<hbm>>
      tpu.wait_dma2 semaphore(%run_scoped3A : memref<!tpu.dma_semaphore, #tpu.memory_space<semaphore_mem>>) src(%arg7 : memref<32x1024xf32, #tpu.memory_space<vmem>>) dst(%dma_wait3A_62 : memref<32x1024xf32, #tpu.memory_space<hbm>>)
      tpu.yield
    }) : () -> ()
    %dma_start3A_24 = arith.constant 64 : i32
    %dma_start3A_25 = tpu.memref_slice %arg6[%dma_start3A_24] : memref<128xi32, #tpu.memory_space<vmem>> -> memref<32xi32, #tpu.memory_space<vmem>>
    %dma_start3A_26 = arith.constant 0 : i32
    %dma_start3A_27 = arith.constant 0 : i32
    %dma_start3A_28 = tpu.memref_slice %arg2[%dma_start3A_26, %dma_start3A_27] : memref<6144x1024xf32, #tpu.memory_space<hbm>> -> memref<6144x1024xf32, #tpu.memory_space<hbm>>
    tpu.enqueue_indirect_dma source(%dma_start3A_28 : memref<6144x1024xf32, #tpu.memory_space<hbm>>) target(%arg7 : memref<32x1024xf32, #tpu.memory_space<vmem>>) offsets(%dma_start3A_25 : memref<32xi32, #tpu.memory_space<vmem>>) semaphore(%arg9 : memref<!tpu.dma_semaphore, #tpu.memory_space<semaphore_mem>>)
    %dma_wait3A_29 = arith.constant 32 : i32
    %dma_wait3A_30 = tpu.memref_slice %arg6[%dma_wait3A_29] : memref<128xi32, #tpu.memory_space<vmem>> -> memref<32xi32, #tpu.memory_space<vmem>>
    %dma_wait3A_31 = arith.constant 0 : i32
    %dma_wait3A_32 = arith.constant 0 : i32
    %dma_wait3A_33 = tpu.memref_slice %arg2[%dma_wait3A_31, %dma_wait3A_32] : memref<6144x1024xf32, #tpu.memory_space<hbm>> -> memref<6144x1024xf32, #tpu.memory_space<hbm>>
    tpu.wait_indirect_dma semaphore(%arg10 : memref<!tpu.dma_semaphore, #tpu.memory_space<semaphore_mem>>) src(%dma_wait3A_33 : memref<6144x1024xf32, #tpu.memory_space<hbm>>) dst(%arg8 : memref<32x1024xf32, #tpu.memory_space<vmem>>)
    %add3A_34 = arith.constant 32 : i32
    %add3A_35 = arith.addi %mul3A_2, %add3A_34 : i32
    "tpu.region"() ({
      %run_scoped3A = tpu.sem_alloc : memref<!tpu.dma_semaphore, #tpu.memory_space<semaphore_mem>>
      %dma_start3A_55 = arith.constant 0 : i32
      %dma_start3A_56 = tpu.memref_slice %arg4[%add3A_35, %dma_start3A_55] : memref<4096x1024xf32, #tpu.memory_space<hbm>> -> memref<32x1024xf32, #tpu.memory_space<hbm>>
      %dma_start3A_57 = arith.constant 0 : i32
      %dma_start3A_58 = tpu.memref_slice %arg4[%add3A_35, %dma_start3A_57] : memref<4096x1024xf32, #tpu.memory_space<hbm>> -> memref<32x1024xf32, #tpu.memory_space<hbm>>
      tpu.enqueue_dma source(%arg8 : memref<32x1024xf32, #tpu.memory_space<vmem>>) target(%dma_start3A_58 : memref<32x1024xf32, #tpu.memory_space<hbm>>) target_semaphore(%run_scoped3A : memref<!tpu.dma_semaphore, #tpu.memory_space<semaphore_mem>>)
      %dma_wait3A_59 = arith.constant 0 : i32
      %dma_wait3A_60 = tpu.memref_slice %arg4[%add3A_35, %dma_wait3A_59] : memref<4096x1024xf32, #tpu.memory_space<hbm>> -> memref<32x1024xf32, #tpu.memory_space<hbm>>
      %dma_wait3A_61 = arith.constant 0 : i32
      %dma_wait3A_62 = tpu.memref_slice %arg4[%add3A_35, %dma_wait3A_61] : memref<4096x1024xf32, #tpu.memory_space<hbm>> -> memref<32x1024xf32, #tpu.memory_space<hbm>>
      tpu.wait_dma2 semaphore(%run_scoped3A : memref<!tpu.dma_semaphore, #tpu.memory_space<semaphore_mem>>) src(%arg8 : memref<32x1024xf32, #tpu.memory_space<vmem>>) dst(%dma_wait3A_62 : memref<32x1024xf32, #tpu.memory_space<hbm>>)
      tpu.yield
    }) : () -> ()
    %dma_start3A_36 = arith.constant 96 : i32
    %dma_start3A_37 = tpu.memref_slice %arg6[%dma_start3A_36] : memref<128xi32, #tpu.memory_space<vmem>> -> memref<32xi32, #tpu.memory_space<vmem>>
    %dma_start3A_38 = arith.constant 0 : i32
    %dma_start3A_39 = arith.constant 0 : i32
    %dma_start3A_40 = tpu.memref_slice %arg2[%dma_start3A_38, %dma_start3A_39] : memref<6144x1024xf32, #tpu.memory_space<hbm>> -> memref<6144x1024xf32, #tpu.memory_space<hbm>>
    tpu.enqueue_indirect_dma source(%dma_start3A_40 : memref<6144x1024xf32, #tpu.memory_space<hbm>>) target(%arg8 : memref<32x1024xf32, #tpu.memory_space<vmem>>) offsets(%dma_start3A_37 : memref<32xi32, #tpu.memory_space<vmem>>) semaphore(%arg10 : memref<!tpu.dma_semaphore, #tpu.memory_space<semaphore_mem>>)
    %dma_wait3A_41 = arith.constant 64 : i32
    %dma_wait3A_42 = tpu.memref_slice %arg6[%dma_wait3A_41] : memref<128xi32, #tpu.memory_space<vmem>> -> memref<32xi32, #tpu.memory_space<vmem>>
    %dma_wait3A_43 = arith.constant 0 : i32
    %dma_wait3A_44 = arith.constant 0 : i32
    %dma_wait3A_45 = tpu.memref_slice %arg2[%dma_wait3A_43, %dma_wait3A_44] : memref<6144x1024xf32, #tpu.memory_space<hbm>> -> memref<6144x1024xf32, #tpu.memory_space<hbm>>
    tpu.wait_indirect_dma semaphore(%arg9 : memref<!tpu.dma_semaphore, #tpu.memory_space<semaphore_mem>>) src(%dma_wait3A_45 : memref<6144x1024xf32, #tpu.memory_space<hbm>>) dst(%arg7 : memref<32x1024xf32, #tpu.memory_space<vmem>>)
    %add3A_46 = arith.constant 64 : i32
    %add3A_47 = arith.addi %mul3A_2, %add3A_46 : i32
    "tpu.region"() ({
      %run_scoped3A = tpu.sem_alloc : memref<!tpu.dma_semaphore, #tpu.memory_space<semaphore_mem>>
      %dma_start3A_55 = arith.constant 0 : i32
      %dma_start3A_56 = tpu.memref_slice %arg4[%add3A_47, %dma_start3A_55] : memref<4096x1024xf32, #tpu.memory_space<hbm>> -> memref<32x1024xf32, #tpu.memory_space<hbm>>
      %dma_start3A_57 = arith.constant 0 : i32
      %dma_start3A_58 = tpu.memref_slice %arg4[%add3A_47, %dma_start3A_57] : memref<4096x1024xf32, #tpu.memory_space<hbm>> -> memref<32x1024xf32, #tpu.memory_space<hbm>>
      tpu.enqueue_dma source(%arg7 : memref<32x1024xf32, #tpu.memory_space<vmem>>) target(%dma_start3A_58 : memref<32x1024xf32, #tpu.memory_space<hbm>>) target_semaphore(%run_scoped3A : memref<!tpu.dma_semaphore, #tpu.memory_space<semaphore_mem>>)
      %dma_wait3A_59 = arith.constant 0 : i32
      %dma_wait3A_60 = tpu.memref_slice %arg4[%add3A_47, %dma_wait3A_59] : memref<4096x1024xf32, #tpu.memory_space<hbm>> -> memref<32x1024xf32, #tpu.memory_space<hbm>>
      %dma_wait3A_61 = arith.constant 0 : i32
      %dma_wait3A_62 = tpu.memref_slice %arg4[%add3A_47, %dma_wait3A_61] : memref<4096x1024xf32, #tpu.memory_space<hbm>> -> memref<32x1024xf32, #tpu.memory_space<hbm>>
      tpu.wait_dma2 semaphore(%run_scoped3A : memref<!tpu.dma_semaphore, #tpu.memory_space<semaphore_mem>>) src(%arg7 : memref<32x1024xf32, #tpu.memory_space<vmem>>) dst(%dma_wait3A_62 : memref<32x1024xf32, #tpu.memory_space<hbm>>)
      tpu.yield
    }) : () -> ()
    %dma_wait3A_48 = arith.constant 96 : i32
    %dma_wait3A_49 = tpu.memref_slice %arg6[%dma_wait3A_48] : memref<128xi32, #tpu.memory_space<vmem>> -> memref<32xi32, #tpu.memory_space<vmem>>
    %dma_wait3A_50 = arith.constant 0 : i32
    %dma_wait3A_51 = arith.constant 0 : i32
    %dma_wait3A_52 = tpu.memref_slice %arg2[%dma_wait3A_50, %dma_wait3A_51] : memref<6144x1024xf32, #tpu.memory_space<hbm>> -> memref<6144x1024xf32, #tpu.memory_space<hbm>>
    tpu.wait_indirect_dma semaphore(%arg10 : memref<!tpu.dma_semaphore, #tpu.memory_space<semaphore_mem>>) src(%dma_wait3A_52 : memref<6144x1024xf32, #tpu.memory_space<hbm>>) dst(%arg8 : memref<32x1024xf32, #tpu.memory_space<vmem>>)
    %add3A_53 = arith.constant 96 : i32
    %add3A_54 = arith.addi %mul3A_2, %add3A_53 : i32
    "tpu.region"() ({
      %run_scoped3A = tpu.sem_alloc : memref<!tpu.dma_semaphore, #tpu.memory_space<semaphore_mem>>
      %dma_start3A_55 = arith.constant 0 : i32
      %dma_start3A_56 = tpu.memref_slice %arg4[%add3A_54, %dma_start3A_55] : memref<4096x1024xf32, #tpu.memory_space<hbm>> -> memref<32x1024xf32, #tpu.memory_space<hbm>>
      %dma_start3A_57 = arith.constant 0 : i32
      %dma_start3A_58 = tpu.memref_slice %arg4[%add3A_54, %dma_start3A_57] : memref<4096x1024xf32, #tpu.memory_space<hbm>> -> memref<32x1024xf32, #tpu.memory_space<hbm>>
      tpu.enqueue_dma source(%arg8 : memref<32x1024xf32, #tpu.memory_space<vmem>>) target(%dma_start3A_58 : memref<32x1024xf32, #tpu.memory_space<hbm>>) target_semaphore(%run_scoped3A : memref<!tpu.dma_semaphore, #tpu.memory_space<semaphore_mem>>)
      %dma_wait3A_59 = arith.constant 0 : i32
      %dma_wait3A_60 = tpu.memref_slice %arg4[%add3A_54, %dma_wait3A_59] : memref<4096x1024xf32, #tpu.memory_space<hbm>> -> memref<32x1024xf32, #tpu.memory_space<hbm>>
      %dma_wait3A_61 = arith.constant 0 : i32
      %dma_wait3A_62 = tpu.memref_slice %arg4[%add3A_54, %dma_wait3A_61] : memref<4096x1024xf32, #tpu.memory_space<hbm>> -> memref<32x1024xf32, #tpu.memory_space<hbm>>
      tpu.wait_dma2 semaphore(%run_scoped3A : memref<!tpu.dma_semaphore, #tpu.memory_space<semaphore_mem>>) src(%arg8 : memref<32x1024xf32, #tpu.memory_space<vmem>>) dst(%dma_wait3A_62 : memref<32x1024xf32, #tpu.memory_space<hbm>>)
      tpu.yield
    }) : () -> ()
    return
  }
}

module attributes {stable_mosaic.version = 14 : i64} {
  func.func @_ffn_body(%arg0: i32, %arg1: i32, %arg2: memref<1x96x1024xf32, #tpu.memory_space<vmem>>, %arg3: memref<1x1024x1024xf32, #tpu.memory_space<vmem>>, %arg4: memref<1x1024x1024xf32, #tpu.memory_space<vmem>>, %arg5: memref<1x96x1024xf32, #tpu.memory_space<vmem>>) attributes {dimension_semantics = [#tpu.dimension_semantics<arbitrary>, #tpu.dimension_semantics<arbitrary>], iteration_bounds = array<i64: 64, 2>, scalar_prefetch = 0 : i64, scratch_operands = 0 : i64, tpu.core_type = #tpu.core_type<tc>, window_params = [{transform_indices = @transform_0, window_bounds = array<i64: 1, 96, 1024>}, {transform_indices = @transform_1, window_bounds = array<i64: 1, 1024, 1024>}, {transform_indices = @transform_2, window_bounds = array<i64: 1, 1024, 1024>}, {transform_indices = @transform_3, window_bounds = array<i64: 1, 96, 1024>}]} {
    %get3A = arith.constant 0 : index
    %get3A_0 = arith.constant 0 : index
    %get3A_1 = arith.constant 0 : index
    %get3A_2 = vector.load %arg2[%get3A, %get3A_0, %get3A_1] : memref<1x96x1024xf32, #tpu.memory_space<vmem>>, vector<1x96x1024xf32>
    %get3A_3 = vector.shape_cast %get3A_2 : vector<1x96x1024xf32> to vector<96x1024xf32>
    %get3A_4 = arith.constant 0 : index
    %get3A_5 = arith.constant 0 : index
    %get3A_6 = arith.constant 0 : index
    %get3A_7 = vector.load %arg3[%get3A_4, %get3A_5, %get3A_6] : memref<1x1024x1024xf32, #tpu.memory_space<vmem>>, vector<1x1024x1024xf32>
    %get3A_8 = vector.shape_cast %get3A_7 : vector<1x1024x1024xf32> to vector<1024x1024xf32>
    %dot_general3A = arith.constant dense<0.000000e+00> : vector<96x1024xf32>
    %dot_general3A_9 = tpu.matmul %get3A_3, %get3A_8, %dot_general3A {dimension_numbers = #tpu.dot_dimension_numbers<[1], [0], [0], [1], [0, 0, 1, 1], [], []>, transpose_lhs_hint = false} : vector<96x1024xf32>, vector<1024x1024xf32>, vector<96x1024xf32> -> vector<96x1024xf32>
    %max3A = arith.constant 0.000000e+00 : f32
    %max3A_10 = vector.broadcast %max3A : f32 to vector<96x1024xf32>
    %max3A_11 = arith.maximumf %dot_general3A_9, %max3A_10 : vector<96x1024xf32>
    %get3A_12 = arith.constant 0 : index
    %get3A_13 = arith.constant 0 : index
    %get3A_14 = arith.constant 0 : index
    %get3A_15 = vector.load %arg4[%get3A_12, %get3A_13, %get3A_14] : memref<1x1024x1024xf32, #tpu.memory_space<vmem>>, vector<1x1024x1024xf32>
    %get3A_16 = vector.shape_cast %get3A_15 : vector<1x1024x1024xf32> to vector<1024x1024xf32>
    %dot_general3A_17 = arith.constant dense<0.000000e+00> : vector<96x1024xf32>
    %dot_general3A_18 = tpu.matmul %max3A_11, %get3A_16, %dot_general3A_17 {dimension_numbers = #tpu.dot_dimension_numbers<[1], [0], [0], [1], [0, 0, 1, 1], [], []>, transpose_lhs_hint = false} : vector<96x1024xf32>, vector<1024x1024xf32>, vector<96x1024xf32> -> vector<96x1024xf32>
    %iota3A = tpu.iota {dimensions = array<i32: 0>} : vector<96x1xi32>
    %lt3A = arith.constant 80 : i32
    %lt3A_19 = vector.broadcast %lt3A : i32 to vector<96x1xi32>
    %lt3A_20 = arith.cmpi slt, %iota3A, %lt3A_19 : vector<96x1xi32>
    %convert_element_type3A = arith.extui %lt3A_20 : vector<96x1xi1> to vector<96x1xi32>
    %convert_element_type3A_21 = arith.sitofp %convert_element_type3A : vector<96x1xi32> to vector<96x1xf32>
    %mul3A = vector.broadcast %convert_element_type3A_21 : vector<96x1xf32> to vector<96x1024xf32>
    %mul3A_22 = arith.mulf %dot_general3A_18, %mul3A : vector<96x1024xf32>
    %eq3A = arith.constant 0 : i32
    %eq3A_23 = arith.cmpi eq, %arg1, %eq3A : i32
    %convert_element_type3A_24 = arith.extui %eq3A_23 : i1 to i32
    %cond3A = arith.constant 0 : i32
    %cond3A_25 = arith.cmpi ne, %convert_element_type3A_24, %cond3A : i32
    scf.if %cond3A_25 {
      %swap3A = arith.constant 0 : index
      %swap3A_30 = arith.constant 0 : index
      %swap3A_31 = arith.constant 0 : index
      %swap3A_32 = vector.load %arg5[%swap3A, %swap3A_30, %swap3A_31] : memref<1x96x1024xf32, #tpu.memory_space<vmem>>, vector<1x96x1024xf32>
      %swap3A_33 = vector.shape_cast %swap3A_32 : vector<1x96x1024xf32> to vector<96x1024xf32>
      %swap3A_34 = vector.shape_cast %mul3A_22 : vector<96x1024xf32> to vector<1x96x1024xf32>
      tpu.vector_store %arg5[%swap3A, %swap3A_30, %swap3A_31], %swap3A_34 {strides = array<i32>} : memref<1x96x1024xf32, #tpu.memory_space<vmem>>, vector<1x96x1024xf32>,
    } else {
    }
    %ne3A = arith.constant 0 : i32
    %ne3A_26 = arith.cmpi ne, %arg1, %ne3A : i32
    %convert_element_type3A_27 = arith.extui %ne3A_26 : i1 to i32
    %cond3A_28 = arith.constant 0 : i32
    %cond3A_29 = arith.cmpi ne, %convert_element_type3A_27, %cond3A_28 : i32
    scf.if %cond3A_29 {
      %get3A_30 = arith.constant 0 : index
      %get3A_31 = arith.constant 0 : index
      %get3A_32 = arith.constant 0 : index
      %get3A_33 = vector.load %arg5[%get3A_30, %get3A_31, %get3A_32] : memref<1x96x1024xf32, #tpu.memory_space<vmem>>, vector<1x96x1024xf32>
      %get3A_34 = vector.shape_cast %get3A_33 : vector<1x96x1024xf32> to vector<96x1024xf32>
      %add3A = arith.addf %get3A_34, %mul3A_22 : vector<96x1024xf32>
      %swap3A = arith.constant 0 : index
      %swap3A_35 = arith.constant 0 : index
      %swap3A_36 = arith.constant 0 : index
      %swap3A_37 = vector.load %arg5[%swap3A, %swap3A_35, %swap3A_36] : memref<1x96x1024xf32, #tpu.memory_space<vmem>>, vector<1x96x1024xf32>
      %swap3A_38 = vector.shape_cast %swap3A_37 : vector<1x96x1024xf32> to vector<96x1024xf32>
      %swap3A_39 = vector.shape_cast %add3A : vector<96x1024xf32> to vector<1x96x1024xf32>
      tpu.vector_store %arg5[%swap3A, %swap3A_35, %swap3A_36], %swap3A_39 {strides = array<i32>} : memref<1x96x1024xf32, #tpu.memory_space<vmem>>, vector<1x96x1024xf32>,
    } else {
    }
    return
  }
  func.func @transform_0(%arg0: i32, %arg1: i32) -> (i32, i32, i32) {
    %c0_i32 = arith.constant 0 : i32
    %c0_i32_0 = arith.constant 0 : i32
    %c0_i32_1 = arith.constant 0 : i32
    return %arg0, %c0_i32, %c0_i32_0 : i32, i32, i32
  }
  func.func @transform_1(%arg0: i32, %arg1: i32) -> (i32, i32, i32) {
    %c0_i32 = arith.constant 0 : i32
    %c0_i32_0 = arith.constant 0 : i32
    return %arg0, %c0_i32, %arg1 : i32, i32, i32
  }
  func.func @transform_2(%arg0: i32, %arg1: i32) -> (i32, i32, i32) {
    %c0_i32 = arith.constant 0 : i32
    %c0_i32_0 = arith.constant 0 : i32
    return %arg0, %arg1, %c0_i32 : i32, i32, i32
  }
  func.func @transform_3(%arg0: i32, %arg1: i32) -> (i32, i32, i32) {
    %c0_i32 = arith.constant 0 : i32
    %c0_i32_0 = arith.constant 0 : i32
    %c0_i32_1 = arith.constant 0 : i32
    return %arg0, %c0_i32, %c0_i32_0 : i32, i32, i32
  }
}

</mosaic_0001>

<sc_bundles>
// kernel: kernel.5.cloned.1.call-start
scs
__scs_entry_jumppad:
0x0: {  	(pc) =	sbr.rel $0x88, $3  }
0x1: {  	(tag) =	ssettag $0x0;
	lr =	simm.s32 $0x1  }
0x2: {  	[smem:$0x3F9D] =	sst lr;
	_ =	strace $0xD0000000  }
0x3: {  	_ = 	snop  }
0x4: {  	_ = 	snop  }
0x5: {  	_ = 	snop  }
0x6: {  	_ = 	snop  }
0x7: {  	_ = 	snop  }
__scs_overlays_trampoline_lowered:
0x8: {  	[smem:$0x3FAC] =	sst s0  }
0x9: {  	[smem:$0x3FAD] =	sst s1  }
0xa: {  	[smem:$0x3FAE] =	sst s2  }
0xb: {  	[smem:$0x3FAF] =	sst s3  }
0xc: {  	[smem:$0x3FB0] =	sst s4  }
0xd: {  	[smem:$0x3FB1] =	sst s5  }
0xe: {  	[smem:$0x3FB2] =	sst s6  }
0xf: {  	[smem:$0x3FB3] =	sst s7  }
0x10: {  	[smem:$0x3FB4] =	sst s8  }
0x11: {  	[smem:$0x3FB5] =	sst s9;
	s0 =	simm.s32 @!p0 $0x0  }
0x12: {  	s1 =	sld [smem:$0x3F9B];
	s0 =	simm.s32 @p0 $0x1  }
0x13: {  	[smem:$0x3FB6] =	sst s0;
	s0 =	simm.s32 @!p1 $0x0  }
0x14: {  	s2 =	sld [smem:$0x3F9A];
	s0 =	simm.s32 @p1 $0x1  }
0x15: {  	[smem:$0x3FB7] =	sst s0;
	s0 =	simm.s32 @!p2 $0x0  }
0x16: {  	s3 =	sld [smem:$0x3FDB];
	s0 =	simm.s32 @p2 $0x1  }
0x17: {  	s4 =	simm.s32 $0x1BF5;
	[smem:$0x3FB9] =	sst s0  }
0x18: {  	s0 =	sld [smem:$0x3F9C];
	_ =	swait.ge [sflag:s4], $0x0  }
0x19: {  	s7 =	sld [smem:$0x3F9D]  }
0x1a: {  	s8 =	sadd.s32 $0xFFFFE003, lr  }
0x1b: {  	s9 =	sadd.s32 $0xFFFFFEF7, lr;
	s5 =	simm.s32 $0xFFFFFFFF;
	p2 =	slt.u32 s8, $0xFFFFF086  }
0x1c: {  	p1 =	slt.u32 s9, $0xF7A;
	s5 =	simm.s32 @!p2 $0x0  }
0x1d: {  	s5 =	simm.s32 @p1 $0x1;
	p0 =	seq.s32 s7, s2  }
0x1e: {  	s7 =	smul.u32 @!p0 $0xF7A, s2;
	p2 =	seq.s32 @!p0 s5, $0x0  }
0x1f: {  	s9 =	smul.u32 $0xF7A, s1;
	s8 =	simm.s32 @!p0 $0x1BF5;
	p2 =	por !p2, p0  }
0x20: {  	[sflag:s8] =	ssyncset.s32 @!p0 $0xFFFFF086;
	s6 =	sadd.s32 @!p0 s3, s7;
	s7 =	simm.s32 @!p0 $0x108  }
0x21: {  	s3 =	sadd.s32 s3, s9;
	s6 =	sadd.s32 @!p0 $0x88, s6;
	s7 =	simm.s32 @p2 $0x1082  }
0x22: {  	[simem:s7], [sflag:s8] =	dma.local @!p0 [hbm:s6], $0xF7A  }
0x23: {  	s9 =	sor.u32 $0xD0000000, s2;
	s6 =	simm.s32 $0x108;
	_ =	swait.ge @!p0 [sflag:s8], $0x0  }
0x24: {  	s3 =	sadd.s32 $0x88, s3;
	s6 =	simm.s32 @!p1 $0x1082;
	[sflag:s4] =	ssyncset.s32 $0xFFFFF086  }
0x25: {  	[simem:s6], [sflag:s4] =	dma.local [hbm:s3], $0xF7A  }
0x26: {  	[smem:$0x3F9D] =	sst s1;
	(tag) =	ssettag s2;
	_ =	strace s9  }
0x27: {  	s1 =	sld [smem:$0x3FAD]  }
0x28: {  	s2 =	sld [smem:$0x3FAE]  }
0x29: {  	s4 =	sld [smem:$0x3FB0]  }
0x2a: {  	p0 =	seq.s32 s5, $0x0;
	s5 =	sld [smem:$0x3FB1]  }
0x2b: {  	s6 =	sld [smem:$0x3FB2]  }
0x2c: {  	s7 =	sld [smem:$0x3FB3]  }
0x2d: {  	s3 =	simm.s32 $0x108;
	s8 =	sld [smem:$0x3FB4]  }
0x2e: {  	s3 =	simm.s32 @!p0 $0x1082;
	s9 =	sld [smem:$0x3FB5]  }
0x2f: {  	lr =	sadd.s32 s0, s3;
	s0 =	sld [smem:$0x3FAC]  }
0x30: {  	s3 =	sld [smem:$0x3FAF]  }
0x31: {  	[smem:$0x3FB8] =	sst s10  }
0x32: {  	s10 =	sld [smem:$0x3FB6];
	_ =	sdelay $0x3  }
0x33: {  	p0 =	seq.s32 s10, $0x1;
	s10 =	sld [smem:$0x3FB8];
	_ =	sdelay $0x3  }
0x34: {  	[smem:$0x3FB8] =	sst s10  }
0x35: {  	s10 =	sld [smem:$0x3FB7];
	_ =	sdelay $0x3  }
0x36: {  	p1 =	seq.s32 s10, $0x1;
	s10 =	sld [smem:$0x3FB8];
	_ =	sdelay $0x3  }
0x37: {  	[smem:$0x3FB8] =	sst s10  }
0x38: {  	s10 =	sld [smem:$0x3FB9]  }
0x39: {  	_ = 	snop;
	(pc) =	sbr.ind lr, $3  }
0x3a: {  	_ = 	snop  }
0x3b: {  	_ = 	snop  }
0x3c: {  	p2 =	seq.s32 s10, $0x1;
	s10 =	sld [smem:$0x3FB8]  }
0x3d: {  	_ =	shalt  }
0x3e: {  	_ =	shalt  }
0x3f: {  	_ =	shalt  }
0x40: {  	_ =	shalt  }
0x41: {  	_ =	shalt  }
0x42: {  	_ =	shalt  }
0x43: {  	_ =	shalt  }
0x44: {  	_ =	shalt  }
0x45: {  	_ =	shalt  }
0x46: {  	_ =	shalt  }
0x47: {  	_ =	shalt  }
0x48: {  	_ =	shalt  }
0x49: {  	_ =	shalt  }
0x4a: {  	_ =	shalt  }
0x4b: {  	_ =	shalt  }
0x4c: {  	_ =	shalt  }
0x4d: {  	_ =	shalt  }
0x4e: {  	_ =	shalt  }
0x4f: {  	_ =	shalt  }
0x50: {  	_ =	shalt  }
0x51: {  	_ =	shalt  }
0x52: {  	_ =	shalt  }
0x53: {  	_ =	shalt  }
0x54: {  	_ =	shalt  }
0x55: {  	_ =	shalt  }
0x56: {  	_ =	shalt  }
0x57: {  	_ =	shalt  }
0x58: {  	_ =	shalt  }
0x59: {  	_ =	shalt  }
0x5a: {  	_ =	shalt  }
0x5b: {  	_ =	shalt  }
0x5c: {  	_ =	shalt  }
0x5d: {  	_ =	shalt  }
0x5e: {  	_ =	shalt  }
0x5f: {  	_ =	shalt  }
0x60: {  	_ =	shalt  }
0x61: {  	_ =	shalt  }
0x62: {  	_ =	shalt  }
0x63: {  	_ =	shalt  }
0x64: {  	_ =	shalt  }
0x65: {  	_ =	shalt  }
0x66: {  	_ =	shalt  }
0x67: {  	_ =	shalt  }
0x68: {  	_ =	shalt  }
0x69: {  	_ =	shalt  }
0x6a: {  	_ =	shalt  }
0x6b: {  	_ =	shalt  }
0x6c: {  	_ =	shalt  }
0x6d: {  	_ =	shalt  }
0x6e: {  	_ =	shalt  }
0x6f: {  	_ =	shalt  }
0x70: {  	_ =	shalt  }
0x71: {  	_ =	shalt  }
0x72: {  	_ =	shalt  }
0x73: {  	_ =	shalt  }
0x74: {  	_ =	shalt  }
0x75: {  	_ =	shalt  }
0x76: {  	_ =	shalt  }
0x77: {  	_ =	shalt  }
0x78: {  	_ =	shalt  }
0x79: {  	_ =	shalt  }
0x7a: {  	_ =	shalt  }
0x7b: {  	_ =	shalt  }
0x7c: {  	_ =	shalt  }
0x7d: {  	_ =	shalt  }
0x7e: {  	_ =	shalt  }
0x7f: {  	_ =	shalt  }
0x80: {  	_ =	shalt  }
0x81: {  	_ =	shalt  }
0x82: {  	_ =	shalt  }
0x83: {  	_ =	shalt  }
0x84: {  	_ =	shalt  }
0x85: {  	_ =	shalt  }
0x86: {  	_ =	shalt  }
0x87: {  	_ =	shalt  }
.Lfunc_end0:
.L_simem_size_0:
called_computation_lowered:
.L_overlay_start_0:
0x88: {  	s2 =	sld [smem:$0x3FD9]  }
0x89: {  	s3 =	sld [smem:$0x3FFE];
	_ =	sdelay $0x1  }
0x8a: {  	s1 =	srdreg.scid  }
0x8b: {  	s0 =	sand.u32 $0x1, s1  }
0x8c: {  	s17 =	sshll.u32 s0, $0xA;
	s2 =	sadd.s32 s3, s2  }
0x8d: {  	s2 =	sadd.s32 s2, s17  }
0x8e: {  	[smem:$0x3FC4] =	sst s2  }
0x8f: {  	_ = 	snop  }
0x90: {  	s2 =	sld [smem:$0x3FC9]  }
0x91: {  	s18 =	sld [smem:$0x3FD0];
	(tm) =	ssettm $0x1  }
0x92: {  	s4 =	sld [smem:$0x3FFB];
	_ =	sdelay $0x3  }
0x93: {  	_ =	strace s4  }
0x94: {  	s4 =	sld [smem:$0x3FFC];
	_ =	sdelay $0x3  }
0x95: {  	_ =	strace s4  }
0x96: {  	s4 =	sld [smem:$0x3FFD];
	_ =	sdelay $0x3  }
0x97: {  	_ =	strace s4  }
0x98: {  	_ =	strace $0x8FFFFFFF  }
0x99: {  	s19 =	sld [smem:$0x3FDB];
	_ =	sdelay $0x1  }
0x9a: {  	s5 =	simm.s32 $_scs_section_size  }
0x9b: {  	s6 =	simm.s32 $_size__tile_overlayer_lowered;
	s7 =	simm.s32 $_tile_overlayer_lowered  }
0x9c: {  	s22 =	simm.s32 $0x1BFF;
	s21 =	sshll.u32 s7, $0x1;
	s4 =	sadd.s32 s5, s19  }
0x9d: {  	s8 =	simm.s32 $0x0;
	s20 =	sshll.u32 s6, $0x1;
	s6 =	sadd.s32 s21, s4  }
0x9e: {  	[timem:s8], [sflag:s22] =	dma.local [hbm:s6], s20  }
0x9f: {  	_ =	swait.ge [sflag:s22], s20  }
0xa0: {  	s5 =	ssub.s32 $0x0, s20;
	[sflag:s22] =	ssyncset.done $0x0  }
0xa1: {  	[sflag:s22] =	ssyncadd.s32 s5;
	_ =	sdelay $0x1  }
0xa2: {  	s23 =	simm.s32 $0x1B8B  }
0xa3: {  	_ =	swait.ge [sflag:s23], $0x1  }
0xa4: {  	[sflag:s23] =	ssyncset.done $0x0  }
0xa5: {  	s25 =	simm.s32 $0x1B8E;
	s24 =	sld [smem:$0x3FFE];
	[sflag:s23] =	ssyncadd.s32 $0xFFFFFFFF  }
0xa6: {  	s26 =	simm.s32 $execute0_lowered;
	[smem:$0x3FD2] =	sst s25  }
0xa7: {  	s6 =	sshll.u32 s26, $0x1;
	_ =	strace $0x80000046;
	[dreg:$0x1] =	wrdreg $0xFFFFFFFF  }
0xa8: {  	s28 =	simm.s32 $_size_execute0_lowered;
	s4 =	sadd.s32 s4, s6;
	[dreg:$0x0] =	wrdreg $0x0  }
0xa9: {  	s6 =	sshll.u32 s28, $0x1;
	[dreg:$0x2] =	wrdreg s4  }
0xaa: {  	[dreg:$0x3] =	wrdreg s6  }
0xab: {  	[dreg:$0x4] =	wrdreg $0xC0  }
0xac: {  	_ =	task [dreg:s8], $0x5FFFF  }
0xad: {  	[dreg:$0x1] =	wrdreg $0xFFFFFFFF  }
0xae: {  	[dreg:$0x0] =	wrdreg $0x60  }
0xaf: {  	[dreg:$0x2] =	wrdreg s18  }
0xb0: {  	[dreg:$0x3] =	wrdreg s2  }
0xb1: {  	[dreg:$0x4] =	wrdreg s24  }
0xb2: {  	[dreg:$0x5] =	wrdreg $0x9  }
0xb3: {  	_ =	task.clear_ibuf [dreg:s8], $0x6FFFF;
	_ =	strace $0x90000046  }
0xb4: {  	s29 =	simm.s32 $0x9;
	_ =	strace $0x80000048  }
0xb5: {  	_ =	swait.ge [sflag:s29], $0x1  }
0xb6: {  	[sflag:s29] =	ssyncadd.s32 $0xFFFFFFFF  }
0xb7: {  	_ =	strace $0x90000048  }
0xb8: {  	_ =	sfence  }
0xb9: {  	s30 =	sld [smem:$0x0];
	_ =	sdelay $0x2  }
0xba: {  	s31 =	sshll.u32 s1, $0xD;
	s1 =	sshrl.u32 s1, $0x2  }
0xbb: {  	s3 =	sand.u32 $0x4000, s31;
	s1 =	sadd.s32 s1, s30  }
0xbc: {  	s0 =	sor.u32 s3, s0;
	s1 =	sshll.u32 s1, $0x11  }
0xbd: {  	s0 =	sor.u32 s1, s0  }
0xbe: {  	s0 =	sadd.s32 $0x8F2B, s0  }
0xbf: {  	[sflag:s0] =	ssyncadd.remote.s32 $0x1  }
0xc0: {  	_ =	sfence.sel $0xFFFF  }
0xc1: {  	[dreg:$0x0] =	wrdreg $0xFFFFFFFF;
	(pc) =	sbr.abs _section_cstart, $3  }
0xc2: {  	[dreg:$0x1] =	wrdreg $0xFFFFFFFF  }
0xc3: {  	_ =	task.clear_ibuf [dreg:s8], $0x2FFFF;
	_ =	strace $0x9FFFFFFF  }
0xc4: {  	(tm) =	ssettm $0x7FFFFFFF  }
0xc5: {  	_ =	shalt  }
tec
execute0_lowered:
.L_overlay_start_1:
0x0: {  	(tag) =	ssettag $0x1  }
0x1: {  	s2 =	rddreg [dreg:$0x1]  }
0x2: {  	s0 =	rddreg [dreg:$0x2]  }
0x3: {  	s4 =	simm.s32 $0x0;
	s1 =	srdreg.scid;
	s14 =	stileid.u32  }
0x4: {  	s16 =	simm.s32 $0x2000;
	s31 =	simm.s32 $0x4100;
	s17 =	simm.s32 $0x6100  }
0x5: {  	s18 =	simm.s32 $0x6900;
	s19 =	simm.s32 $0x7100;
	s21 =	simm.s32 $0xA100  }
0x6: {  	s20 =	simm.s32 $0xB900;
	[smem:$0x7FF] =	sst s4;
	s1 =	sand.u32 $0x1, s1  }
0x7: {  	s3 =	sadd.s32 $0xC00, s0;
	s5 =	sshll.u32 s14, $0xA;
	s8 =	sshll.u32 s14, $0x1  }
0x8: {  	s26 =	smul.u32 $0x180, s14;
	_ =	strace $0x80000047;
	s6 =	ssub.s32 $0x2, s1  }
0x9: {  	s5 =	sand.u32 $0x3000, s5;
	s22 =	sor.u32 s1, s8;
	s1 =	smul.u32 $0xC0, s1  }
0xa: {  	s7 =	sshrl.u32 s6, $0x1;
	s0 =	sadd.s32 s5, s0;
	s23 =	smul.u32 $0xC0, s22  }
0xb: {  	s24 =	sshllo.u32 s22, $0x1;
	s8 =	sshll.u32 s22, $0x4;
	s13 =	smul.u32 $0x6000, s22  }
0xc: {  	s9 =	sshll.u32 s22, $0x1;
	s25 =	smul.u32 $0x30000, s22;
	s5 =	simm.s32 $0x0  }
0xd: {  	s22 =	simm.s32 $0xA900;
	s12 =	ssub.s32 s6, s7;
	s11 =	smul.u32 $0x60, s24  }
0xe: {  	s8 =	sand.u32 $0x70, s8;
	s6 =	sadd.s32 $0x100, s2;
	s7 =	sadd.s32 $0x200, s2  }
0xf: {  	s30 =	sadd.s32 s1, s26;
	v1 =	vmov s24;
	s24 =	simm.s32 $0xB100;
	s26 =	simm.s32 $0xC900  }
0x10: {  	s1 =	simm.s32 $0xE100;
	s10 =	sor.u32 $0x1, s23;
	s0 =	sadd.s32 s8, s0  }
0x11: {  	s8 =	sadd.s32 $0x300, s2;
	s15 =	sadd.s32 s3, s13;
	s29 =	smax.u32 s12, $0x1  }
0x12: {  	[dreg:$0xa] =	wrdreg s30;
	s12 =	simm.s32 $0x9100;
	s13 =	simm.s32 $0x9900  }
0x13: {  	s23 =	simm.s32 $0xD100;
	s0 =	sadd.s32 $0xC0C00, s0;
	[dreg:$0x5] =	wrdreg s15  }
0x14: {  	s11 =	sor.u32 $0x1, s11;
	[dreg:$0x4] =	wrdreg s0;
	s0 =	sshrl.u32 s25, $0x3  }
0x15: {  	v4 =	vlaneseq.u32;
	v5 =	vimm.s32 $0x0;
	s28 =	sadd.s32 $0x1800, s15;
	[dreg:$0x9] =	wrdreg s29;
	s0 =	sadd.s32 s3, s0  }
0x16: {  	v6 =	vimm.s32 $0xF;
	vm0 =	vmmov $0xffff;
	v7 =	vand.u32 $0x7, v4;
	s15 =	simm.s32 $0x3;
	[dreg:$0x6] =	wrdreg s28;
	s3 =	sadd.s32 $0x3000, s0  }
0x17: {  	v8 =	vshrl.u32 v4, $0x3;
	v9 =	vor.u32 $0x8, v4;
	v2 =	vmov s10;
	s10 =	simm.s32 $0x8100;
	s0 =	sadd.s32 $0x4800, s0;
	[dreg:$0x7] =	wrdreg s3  }
0x18: {  	v8 =	vmul.u32 $0x8, v8;
	v0 =	vmov s9;
	v3 =	vmov s11;
	s11 =	simm.s32 $0x8900;
	s25 =	simm.s32 $0xC100;
	[dreg:$0x8] =	wrdreg s0  }
.LBB2_1:
0x19: {  	s9 =	rddreg [dreg:$0x0]  }
0x1a: {  	[tilespmem:s4], [sflag:$0x3] =	stream.linear.gather [hbm4b:s9+s4], $0x1000, $0x38;
	[tilespmem:$0x1A100] =	vst v63  }
0x1b: {  	_ =	swait.ge [sflag:s15], $0x1000  }
0x1c: {  	[sflag:s15] =	ssyncset.done $0x0  }
0x1d: {  	s28 =	simm.s32 $0x0;
	s9 =	rddreg [dreg:$0xa];
	[sflag:s15] =	ssyncadd.s32 $0xFFFFF000  }
.LBB2_2:
0x1e: {  	p0 =	sne.s32 s28, $0x2C0  }
.Ltmp0:
0x1f: {  	_ = 	snop;
	(pc) =	sbr.rel @p0 .LBB2_2-.Ltmp0, $4  }
0x20: {  	_ = 	snop  }
0x21: {  	v10 =	vor.u32 s9, v4  }
0x22: {  	s29 =	sshra.s32 s28, $0x2;
	v10 =	vand.u32 $0xFFF, v10  }
0x23: {  	s9 =	sadd.s32 $0x10, s9;
	s28 =	sadd.s32 $0x40, s28;
	[tilespmem:s29+$0x2000] =	vst v10  }
0x24: {  	s9 =	simm.s32 $0x0  }
0x25: {  	v10 =	vld [tilespmem:s9+$0x0];
	_ =	sdelay $0x4  }
0x26: {  	v11 =	vshra.s32 v10, $0x1F  }
0x27: {  	v11 =	vshrl.u32 v11, $0x1A  }
0x28: {  	v11 =	vadd.s32 v11, v10  }
0x29: {  	v11 =	vand.u32 $0xFFFFFFC0, v11  }
0x2a: {  	v10 =	vsub.s32 v10, v11  }
0x2b: {  	vm1 =	veq.s32 v10, v0  }
0x2c: {  	vm2 =	veq.s32 v10, v1;
	v10 =	vsel vm1, $0x1, v5  }
0x2d: {  	v11 =	vsel vm2, $0x1, v5;
	(xrf0) =	vadd.scan.msk.s32 $0xffff, v10  }
0x2e: {  	(xrf0) =	vadd.scan.msk.s32 $0xffff, v11;
	_ =	sdelay $0x4  }
0x2f: {  	v10 =	vimm.s32 $0x0;
	v11, _, _ =	vpop (xrf0)  }
0x30: {  	v12 =	vadd.s32 v11, v10;
	v13, _, _ =	vpop (xrf0)  }
0x31: {  	v12 =	vadd.s32 $0xFFFFFFFF, v12;
	v14 =	vadd.s32 v10, v13  }
0x32: {  	v15 =	vadd.s32 $0xFFFFFFFF, v14;
	vm3 =	vlt.s32 v12, $0x50  }
0x33: {  	vm4 =	vmand vm1, vm3;
	vm5 =	vlt.s32 v15, $0x50  }
0x34: {  	vm6 =	vmand vm2, vm5  }
0x35: {  	v14 =	vadd.s32 $0x5F, v14;
	_ =	sdelay $0x1  }
0x36: {  	v15 =	vnsel vm5, $0x50, v15  }
0x37: {  	v16 =	vor.u32 s9, v4;
	v17 =	vnsel vm3, $0x50, v12;
	v15 =	vadd.s32 v3, v15  }
0x38: {  	v15 =	vnsel vm2, $0x0, v15;
	[tilespmem:v12+s16+$0x0] =	vst.idx.msk vm4, v16;
	v12 =	vadd.s32 v2, v17  }
0x39: {  	s28 =	simm.s32 $0x1000;
	[tilespmem:v14+s16+$0x0] =	vst.idx.msk vm6, v16;
	v12 =	vsel vm1, v12, v15  }
0x3a: {  	s9 =	simm.s32 $0x10;
	[tilespmem:s28+$0x0] =	vst v12  }
0x3b: {  	v11 =	vperm.xlane v11, v6;
	v13 =	vperm.xlane v13, v6;
	v12 =	vld [tilespmem:s9+$0x0];
	_ =	sdelay $0x1  }
0x3c: {  	s29 =	simm.s32 $0x20;
	s30 =	simm.s32 $0x10;
	v11 =	vadd.s32 v10, v11;
	v10 =	vadd.s32 v10, v13  }
.LBB2_4:
0x3d: {  	p0 =	sne.s32 s29, $0xFF0;
	_ =	sdelay $0x1  }
0x3e: {  	v13 =	vshra.s32 v12, $0x1F  }
0x3f: {  	v13 =	vshrl.u32 v13, $0x1A  }
0x40: {  	v13 =	vadd.s32 v13, v12  }
0x41: {  	v13 =	vand.u32 $0xFFFFFFC0, v13  }
0x42: {  	v12 =	vsub.s32 v12, v13  }
0x43: {  	vm1 =	veq.s32 v12, v0  }
0x44: {  	vm2 =	veq.s32 v12, v1;
	v12 =	vsel vm1, $0x1, v5  }
0x45: {  	v13 =	vsel vm2, $0x1, v5;
	(xrf0) =	vadd.scan.msk.s32 $0xffff, v12  }
0x46: {  	(xrf0) =	vadd.scan.msk.s32 $0xffff, v13;
	_ =	sdelay $0x4  }
0x47: {  	v12, _, _ =	vpop (xrf0)  }
0x48: {  	v13 =	vadd.s32 v12, v11;
	v12 =	vperm.xlane v12, v6;
	v14, _, _ =	vpop (xrf0)  }
0x49: {  	v13 =	vadd.s32 $0xFFFFFFFF, v13;
	v15 =	vadd.s32 v10, v14;
	v14 =	vperm.xlane v14, v6  }
0x4a: {  	v16 =	vadd.s32 $0xFFFFFFFF, v15;
	vm3 =	vlt.s32 v13, $0x50;
	v11 =	vadd.s32 v11, v12  }
0x4b: {  	vm4 =	vmand vm1, vm3;
	vm5 =	vlt.s32 v16, $0x50;
	v10 =	vadd.s32 v10, v14  }
0x4c: {  	vm6 =	vmand vm2, vm5  }
0x4d: {  	v12 =	vadd.s32 $0x5F, v15;
	_ =	sdelay $0x1  }
0x4e: {  	v14 =	vnsel vm5, $0x50, v16  }
0x4f: {  	v15 =	vor.u32 s9, v4;
	s9 =	smov.u32 s29;
	v16 =	vnsel vm3, $0x50, v13;
	v14 =	vadd.s32 v3, v14  }
0x50: {  	v14 =	vnsel vm2, $0x0, v14;
	[tilespmem:v13+s16+$0x0] =	vst.idx.msk vm4, v15;
	v13 =	vadd.s32 v2, v16  }
.Ltmp1:
0x51: {  	s28 =	sadd.s32 $0x10, s28;
	[tilespmem:v12+s16+$0x0] =	vst.idx.msk vm6, v15;
	v12 =	vsel vm1, v13, v14;
	(pc) =	sbr.rel @p0 .LBB2_4-.Ltmp1, $3  }
0x52: {  	s30 =	sadd.s32 $0x10, s30;
	[tilespmem:s28+$0x0] =	vst v12  }
0x53: {  	v12 =	vld [tilespmem:s30+$0x0];
	_ =	sdelay $0x1  }
0x54: {  	s29 =	sadd.s32 $0x10, s29  }
0x55: {  	_ =	sdelay $0x1  }
0x56: {  	v13 =	vshra.s32 v12, $0x1F  }
0x57: {  	v13 =	vshrl.u32 v13, $0x1A  }
0x58: {  	v13 =	vadd.s32 v13, v12  }
0x59: {  	v13 =	vand.u32 $0xFFFFFFC0, v13  }
0x5a: {  	v59 =	vsub.s32 v12, v13  }
0x5b: {  	vm1 =	veq.s32 v59, v0  }
0x5c: {  	vm2 =	veq.s32 v59, v1;
	v60 =	vsel vm1, $0x1, v5  }
0x5d: {  	v61 =	vsel vm2, $0x1, v5;
	(xrf0) =	vadd.scan.msk.s32 $0xffff, v60  }
0x5e: {  	(xrf0) =	vadd.scan.msk.s32 $0xffff, v61;
	_ =	sdelay $0x4  }
0x5f: {  	v12, _, _ =	vpop (xrf0)  }
0x60: {  	v11 =	vadd.s32 v12, v11;
	v62, _, _ =	vpop (xrf0)  }
0x61: {  	v11 =	vadd.s32 $0xFFFFFFFF, v11;
	v10 =	vadd.s32 v10, v62  }
0x62: {  	v12 =	vadd.s32 $0xFFFFFFFF, v10;
	vm3 =	vlt.s32 v11, $0x50  }
0x63: {  	vm4 =	vmand vm1, vm3;
	vm5 =	vlt.s32 v12, $0x50  }
0x64: {  	vm6 =	vmand vm2, vm5  }
0x65: {  	v10 =	vadd.s32 $0x5F, v10;
	_ =	sdelay $0x1  }
0x66: {  	v12 =	vnsel vm5, $0x50, v12  }
0x67: {  	v63 =	vor.u32 s9, v4;
	v14 =	vnsel vm3, $0x50, v11;
	v12 =	vadd.s32 v3, v12  }
0x68: {  	v12 =	vnsel vm2, $0x0, v12;
	[tilespmem:v11+s16+$0x0] =	vst.idx.msk vm4, v63;
	v11 =	vadd.s32 v2, v14  }
0x69: {  	s3 =	sadd.s32 $0x10, s28;
	s14 =	rddreg [dreg:$0x4];
	[tilespmem:v10+s16+$0x0] =	vst.idx.msk vm6, v63;
	v10 =	vsel vm1, v11, v12  }
0x6a: {  	s0 =	simm.s32 $0x80;
	s29 =	simm.s32 $0x400;
	s30 =	simm.s32 $0x1000;
	[tilespmem:s3+$0x0] =	vst v10  }
0x6b: {  	[hbm4b:s14+s0] =	stream.strided.scatter [tilespmem:s30], [sflag:$0x3], $0x1000, s29, s0, $0x38;
	[tilespmem:$0x1A100] =	vst v63  }
0x6c: {  	_ =	swait.ge [sflag:s15], $0x1000  }
0x6d: {  	[sflag:s15] =	ssyncset.done $0x0  }
0x6e: {  	[sflag:s15] =	ssyncadd.s32 $0xFFFFF000  }
0x6f: {  	v10 =	vld [tilespmem:$0x2000];
	_ =	sdelay $0x4  }
0x70: {  	v11 =	vshll.u32 v10, $0x3  }
0x71: {  	v10 =	vand.u32 $0x7, v10;
	v11 =	vand.u32 $0xFFFFFFC0, v11  }
0x72: {  	v10 =	vor.u32 v10, v11  }
0x73: {  	v11 =	vperm.xlane v10, v7;
	_ =	sdelay $0x1  }
0x74: {  	v11 =	vadd.s32 v8, v11;
	_ =	sdelay $0x3  }
0x75: {  	s0 =	simm.s32 $0x2100  }
0x76: {  	[tilespmem:s0], [sflag:$0x1] =	stream.indirect_vreg.gather [hbm4b:s2+s4], $0x80, v11, vm0, $0xb8;
	[tilespmem:$0x1A100] =	vst v63  }
0x77: {  	s28 =	simm.s32 $0x2900;
	v10 =	vperm.xlane v10, v9  }
0x78: {  	[tilespmem:s28], [sflag:$0x1] =	stream.indirect_vreg.gather [hbm4b:s6+s4], $0x80, v11, vm0, $0xb8;
	[tilespmem:$0x1A100] =	vst v63  }
0x79: {  	s29 =	simm.s32 $0x3100;
	v10 =	vadd.s32 v8, v10  }
0x7a: {  	[tilespmem:s29], [sflag:$0x1] =	stream.indirect_vreg.gather [hbm4b:s7+s4], $0x80, v11, vm0, $0xb8;
	[tilespmem:$0x1A100] =	vst v63  }
0x7b: {  	s30 =	simm.s32 $0x3900  }
0x7c: {  	[tilespmem:s30], [sflag:$0x1] =	stream.indirect_vreg.gather [hbm4b:s8+s4], $0x80, v11, vm0, $0xb8;
	[tilespmem:$0x1A100] =	vst v63  }
0x7d: {  	_ = 	snop  }
0x7e: {  	[tilespmem:s31], [sflag:$0x1] =	stream.indirect_vreg.gather [hbm4b:s2+s4], $0x80, v10, vm0, $0xb8;
	[tilespmem:$0x1A100] =	vst v63  }
0x7f: {  	s3 =	simm.s32 $0x4900  }
0x80: {  	[tilespmem:s3], [sflag:$0x1] =	stream.indirect_vreg.gather [hbm4b:s6+s4], $0x80, v10, vm0, $0xb8;
	[tilespmem:$0x1A100] =	vst v63  }
0x81: {  	s3 =	simm.s32 $0x5100  }
0x82: {  	[tilespmem:s3], [sflag:$0x1] =	stream.indirect_vreg.gather [hbm4b:s7+s4], $0x80, v10, vm0, $0xb8;
	[tilespmem:$0x1A100] =	vst v63  }
0x83: {  	s9 =	simm.s32 $0x5900  }
0x84: {  	[tilespmem:s9], [sflag:$0x1] =	stream.indirect_vreg.gather [hbm4b:s8+s4], $0x80, v10, vm0, $0xb8;
	[tilespmem:$0x1A100] =	vst v63  }
0x85: {  	v10 =	vld [tilespmem:$0x2010];
	_ =	sdelay $0x4  }
0x86: {  	v11 =	vshll.u32 v10, $0x3  }
0x87: {  	v10 =	vand.u32 $0x7, v10;
	v11 =	vand.u32 $0xFFFFFFC0, v11  }
0x88: {  	v10 =	vor.u32 v10, v11  }
0x89: {  	v11 =	vperm.xlane v10, v7;
	_ =	sdelay $0x1  }
0x8a: {  	v11 =	vadd.s32 v8, v11;
	_ =	sdelay $0x4  }
0x8b: {  	[tilespmem:s17], [sflag:$0x1] =	stream.indirect_vreg.gather [hbm4b:s2+s4], $0x80, v11, vm0, $0xb8;
	[tilespmem:$0x1A100] =	vst v63  }
0x8c: {  	v10 =	vperm.xlane v10, v9  }
0x8d: {  	[tilespmem:s18], [sflag:$0x1] =	stream.indirect_vreg.gather [hbm4b:s6+s4], $0x80, v11, vm0, $0xb8;
	[tilespmem:$0x1A100] =	vst v63  }
0x8e: {  	v10 =	vadd.s32 v8, v10  }
0x8f: {  	[tilespmem:s19], [sflag:$0x1] =	stream.indirect_vreg.gather [hbm4b:s7+s4], $0x80, v11, vm0, $0xb8;
	[tilespmem:$0x1A100] =	vst v63  }
0x90: {  	s14 =	simm.s32 $0x7900  }
0x91: {  	[tilespmem:s14], [sflag:$0x1] =	stream.indirect_vreg.gather [hbm4b:s8+s4], $0x80, v11, vm0, $0xb8;
	[tilespmem:$0x1A100] =	vst v63  }
0x92: {  	_ = 	snop  }
0x93: {  	[tilespmem:s10], [sflag:$0x1] =	stream.indirect_vreg.gather [hbm4b:s2+s4], $0x80, v10, vm0, $0xb8;
	[tilespmem:$0x1A100] =	vst v63  }
0x94: {  	_ = 	snop  }
0x95: {  	[tilespmem:s11], [sflag:$0x1] =	stream.indirect_vreg.gather [hbm4b:s6+s4], $0x80, v10, vm0, $0xb8;
	[tilespmem:$0x1A100] =	vst v63  }
0x96: {  	_ = 	snop  }
0x97: {  	[tilespmem:s12], [sflag:$0x1] =	stream.indirect_vreg.gather [hbm4b:s7+s4], $0x80, v10, vm0, $0xb8;
	[tilespmem:$0x1A100] =	vst v63  }
0x98: {  	_ = 	snop  }
0x99: {  	[tilespmem:s13], [sflag:$0x1] =	stream.indirect_vreg.gather [hbm4b:s8+s4], $0x80, v10, vm0, $0xb8;
	[tilespmem:$0x1A100] =	vst v63  }
0x9a: {  	v10 =	vld [tilespmem:$0x2020];
	_ =	sdelay $0x4  }
0x9b: {  	v11 =	vshll.u32 v10, $0x3  }
0x9c: {  	v10 =	vand.u32 $0x7, v10;
	v11 =	vand.u32 $0xFFFFFFC0, v11  }
0x9d: {  	v10 =	vor.u32 v10, v11  }
0x9e: {  	v11 =	vperm.xlane v10, v7;
	_ =	sdelay $0x1  }
0x9f: {  	v11 =	vadd.s32 v8, v11;
	_ =	sdelay $0x4  }
0xa0: {  	[tilespmem:s21], [sflag:$0x1] =	stream.indirect_vreg.gather [hbm4b:s2+s4], $0x80, v11, vm0, $0xb8;
	[tilespmem:$0x1A100] =	vst v63  }
0xa1: {  	v10 =	vperm.xlane v10, v9  }
0xa2: {  	[tilespmem:s22], [sflag:$0x1] =	stream.indirect_vreg.gather [hbm4b:s6+s4], $0x80, v11, vm0, $0xb8;
	[tilespmem:$0x1A100] =	vst v63  }
0xa3: {  	v10 =	vadd.s32 v8, v10  }
0xa4: {  	[tilespmem:s24], [sflag:$0x1] =	stream.indirect_vreg.gather [hbm4b:s7+s4], $0x80, v11, vm0, $0xb8;
	[tilespmem:$0x1A100] =	vst v63  }
0xa5: {  	_ = 	snop  }
0xa6: {  	[tilespmem:s20], [sflag:$0x1] =	stream.indirect_vreg.gather [hbm4b:s8+s4], $0x80, v11, vm0, $0xb8;
	[tilespmem:$0x1A100] =	vst v63  }
0xa7: {  	_ = 	snop  }
0xa8: {  	[tilespmem:s25], [sflag:$0x1] =	stream.indirect_vreg.gather [hbm4b:s2+s4], $0x80, v10, vm0, $0xb8;
	[tilespmem:$0x1A100] =	vst v63  }
0xa9: {  	_ = 	snop  }
0xaa: {  	[tilespmem:s26], [sflag:$0x1] =	stream.indirect_vreg.gather [hbm4b:s6+s4], $0x80, v10, vm0, $0xb8;
	[tilespmem:$0x1A100] =	vst v63  }
0xab: {  	_ = 	snop  }
0xac: {  	[tilespmem:s23], [sflag:$0x1] =	stream.indirect_vreg.gather [hbm4b:s7+s4], $0x80, v10, vm0, $0xb8;
	[tilespmem:$0x1A100] =	vst v63  }
0xad: {  	s9 =	simm.s32 $0xD900  }
0xae: {  	[tilespmem:s9], [sflag:$0x1] =	stream.indirect_vreg.gather [hbm4b:s8+s4], $0x80, v10, vm0, $0xb8;
	[tilespmem:$0x1A100] =	vst v63  }
0xaf: {  	v10 =	vld [tilespmem:$0x2030];
	_ =	sdelay $0x4  }
0xb0: {  	v11 =	vshll.u32 v10, $0x3  }
0xb1: {  	v10 =	vand.u32 $0x7, v10;
	v11 =	vand.u32 $0xFFFFFFC0, v11  }
0xb2: {  	v10 =	vor.u32 v10, v11  }
0xb3: {  	v11 =	vperm.xlane v10, v7;
	_ =	sdelay $0x1  }
0xb4: {  	v11 =	vadd.s32 v8, v11;
	_ =	sdelay $0x4  }
0xb5: {  	[tilespmem:s1], [sflag:$0x2] =	stream.indirect_vreg.gather [hbm4b:s2+s4], $0x80, v11, vm0, $0xb8;
	[tilespmem:$0x1A100] =	vst v63  }
0xb6: {  	s14 =	simm.s32 $0xE900;
	v10 =	vperm.xlane v10, v9  }
0xb7: {  	[tilespmem:s14], [sflag:$0x2] =	stream.indirect_vreg.gather [hbm4b:s6+s4], $0x80, v11, vm0, $0xb8;
	[tilespmem:$0x1A100] =	vst v63  }
0xb8: {  	s9 =	simm.s32 $0xF100;
	v10 =	vadd.s32 v8, v10  }
0xb9: {  	[tilespmem:s9], [sflag:$0x2] =	stream.indirect_vreg.gather [hbm4b:s7+s4], $0x80, v11, vm0, $0xb8;
	[tilespmem:$0x1A100] =	vst v63  }
0xba: {  	s14 =	simm.s32 $0xF900  }
0xbb: {  	[tilespmem:s14], [sflag:$0x2] =	stream.indirect_vreg.gather [hbm4b:s8+s4], $0x80, v11, vm0, $0xb8;
	[tilespmem:$0x1A100] =	vst v63  }
0xbc: {  	s9 =	simm.s32 $0x10100  }
0xbd: {  	[tilespmem:s9], [sflag:$0x2] =	stream.indirect_vreg.gather [hbm4b:s2+s4], $0x80, v10, vm0, $0xb8;
	[tilespmem:$0x1A100] =	vst v63  }
0xbe: {  	s14 =	simm.s32 $0x10900  }
0xbf: {  	[tilespmem:s14], [sflag:$0x2] =	stream.indirect_vreg.gather [hbm4b:s6+s4], $0x80, v10, vm0, $0xb8;
	[tilespmem:$0x1A100] =	vst v63  }
0xc0: {  	s9 =	simm.s32 $0x11100  }
0xc1: {  	[tilespmem:s9], [sflag:$0x2] =	stream.indirect_vreg.gather [hbm4b:s7+s4], $0x80, v10, vm0, $0xb8;
	[tilespmem:$0x1A100] =	vst v63  }
0xc2: {  	s14 =	simm.s32 $0x11900  }
0xc3: {  	[tilespmem:s14], [sflag:$0x2] =	stream.indirect_vreg.gather [hbm4b:s8+s4], $0x80, v10, vm0, $0xb8;
	[tilespmem:$0x1A100] =	vst v63  }
0xc4: {  	v10 =	vld [tilespmem:$0x2040];
	_ =	sdelay $0x4  }
0xc5: {  	v11 =	vshll.u32 v10, $0x3  }
0xc6: {  	v10 =	vand.u32 $0x7, v10;
	v11 =	vand.u32 $0xFFFFFFC0, v11  }
0xc7: {  	v10 =	vor.u32 v10, v11  }
0xc8: {  	v11 =	vperm.xlane v10, v7;
	_ =	sdelay $0x1  }
0xc9: {  	v11 =	vadd.s32 v8, v11;
	_ =	sdelay $0x3  }
0xca: {  	s9 =	simm.s32 $0x12100  }
0xcb: {  	[tilespmem:s9], [sflag:$0x2] =	stream.indirect_vreg.gather [hbm4b:s2+s4], $0x80, v11, vm0, $0xb8;
	[tilespmem:$0x1A100] =	vst v63  }
0xcc: {  	s14 =	simm.s32 $0x12900;
	v10 =	vperm.xlane v10, v9  }
0xcd: {  	[tilespmem:s14], [sflag:$0x2] =	stream.indirect_vreg.gather [hbm4b:s6+s4], $0x80, v11, vm0, $0xb8;
	[tilespmem:$0x1A100] =	vst v63  }
0xce: {  	v10 =	vadd.s32 v8, v10;
	s9 =	simm.s32 $0x13100  }
0xcf: {  	[tilespmem:s9], [sflag:$0x2] =	stream.indirect_vreg.gather [hbm4b:s7+s4], $0x80, v11, vm0, $0xb8;
	[tilespmem:$0x1A100] =	vst v63  }
0xd0: {  	s14 =	simm.s32 $0x13900  }
0xd1: {  	[tilespmem:s14], [sflag:$0x2] =	stream.indirect_vreg.gather [hbm4b:s8+s4], $0x80, v11, vm0, $0xb8;
	[tilespmem:$0x1A100] =	vst v63  }
0xd2: {  	s9 =	simm.s32 $0x14100  }
0xd3: {  	[tilespmem:s9], [sflag:$0x2] =	stream.indirect_vreg.gather [hbm4b:s2+s4], $0x80, v10, vm0, $0xb8;
	[tilespmem:$0x1A100] =	vst v63  }
0xd4: {  	s14 =	simm.s32 $0x14900  }
0xd5: {  	[tilespmem:s14], [sflag:$0x2] =	stream.indirect_vreg.gather [hbm4b:s6+s4], $0x80, v10, vm0, $0xb8;
	[tilespmem:$0x1A100] =	vst v63  }
0xd6: {  	s9 =	simm.s32 $0x15100  }
0xd7: {  	[tilespmem:s9], [sflag:$0x2] =	stream.indirect_vreg.gather [hbm4b:s7+s4], $0x80, v10, vm0, $0xb8;
	[tilespmem:$0x1A100] =	vst v63  }
0xd8: {  	s14 =	simm.s32 $0x15900  }
0xd9: {  	[tilespmem:s14], [sflag:$0x2] =	stream.indirect_vreg.gather [hbm4b:s8+s4], $0x80, v10, vm0, $0xb8;
	[tilespmem:$0x1A100] =	vst v63  }
0xda: {  	v10 =	vld [tilespmem:$0x2050];
	_ =	sdelay $0x4  }
0xdb: {  	v11 =	vshll.u32 v10, $0x3  }
0xdc: {  	v10 =	vand.u32 $0x7, v10;
	v11 =	vand.u32 $0xFFFFFFC0, v11  }
0xdd: {  	v10 =	vor.u32 v10, v11  }
0xde: {  	v11 =	vperm.xlane v10, v7;
	_ =	sdelay $0x1  }
0xdf: {  	v11 =	vadd.s32 v8, v11;
	_ =	sdelay $0x3  }
0xe0: {  	s9 =	simm.s32 $0x16100  }
0xe1: {  	[tilespmem:s9], [sflag:$0x2] =	stream.indirect_vreg.gather [hbm4b:s2+s4], $0x80, v11, vm0, $0xb8;
	[tilespmem:$0x1A100] =	vst v63  }
0xe2: {  	s14 =	simm.s32 $0x16900;
	v10 =	vperm.xlane v10, v9  }
0xe3: {  	[tilespmem:s14], [sflag:$0x2] =	stream.indirect_vreg.gather [hbm4b:s6+s4], $0x80, v11, vm0, $0xb8;
	[tilespmem:$0x1A100] =	vst v63  }
0xe4: {  	v10 =	vadd.s32 v8, v10;
	s9 =	simm.s32 $0x17100  }
0xe5: {  	[tilespmem:s9], [sflag:$0x2] =	stream.indirect_vreg.gather [hbm4b:s7+s4], $0x80, v11, vm0, $0xb8;
	[tilespmem:$0x1A100] =	vst v63  }
0xe6: {  	s14 =	simm.s32 $0x17900  }
0xe7: {  	[tilespmem:s14], [sflag:$0x2] =	stream.indirect_vreg.gather [hbm4b:s8+s4], $0x80, v11, vm0, $0xb8;
	[tilespmem:$0x1A100] =	vst v63  }
0xe8: {  	s9 =	simm.s32 $0x18100  }
0xe9: {  	[tilespmem:s9], [sflag:$0x2] =	stream.indirect_vreg.gather [hbm4b:s2+s4], $0x80, v10, vm0, $0xb8;
	[tilespmem:$0x1A100] =	vst v63  }
0xea: {  	s14 =	simm.s32 $0x18900  }
0xeb: {  	[tilespmem:s14], [sflag:$0x2] =	stream.indirect_vreg.gather [hbm4b:s6+s4], $0x80, v10, vm0, $0xb8;
	[tilespmem:$0x1A100] =	vst v63  }
0xec: {  	s9 =	simm.s32 $0x19100  }
0xed: {  	[tilespmem:s9], [sflag:$0x2] =	stream.indirect_vreg.gather [hbm4b:s7+s4], $0x80, v10, vm0, $0xb8;
	[tilespmem:$0x1A100] =	vst v63  }
0xee: {  	s0 =	simm.s32 $0x1;
	s14 =	simm.s32 $0x19900  }
0xef: {  	[tilespmem:s14], [sflag:$0x2] =	stream.indirect_vreg.gather [hbm4b:s8+s4], $0x80, v10, vm0, $0xb8;
	[tilespmem:$0x1A100] =	vst v63  }
0xf0: {  	_ =	swait.ge [sflag:s0], $0xC000  }
0xf1: {  	[sflag:s0] =	ssyncset.done $0x0  }
0xf2: {  	s14 =	simm.s32 $0x2100;
	s9 =	rddreg [dreg:$0x5];
	[sflag:s0] =	ssyncadd.s32 $0xFFFF4000  }
0xf3: {  	[hbm4b:s9+s4] =	stream.linear.scatter [tilespmem:s14], [sflag:$0x3], $0xC000, $0x38;
	[tilespmem:$0x1A100] =	vst v63  }
0xf4: {  	_ =	swait.ge [sflag:s15], $0xC000  }
0xf5: {  	[sflag:s15] =	ssyncset.done $0x0  }
0xf6: {  	[sflag:s15] =	ssyncadd.s32 $0xFFFF4000  }
0xf7: {  	v10 =	vld [tilespmem:$0x2060];
	_ =	sdelay $0x4  }
0xf8: {  	v11 =	vshll.u32 v10, $0x3  }
0xf9: {  	v10 =	vand.u32 $0x7, v10;
	v11 =	vand.u32 $0xFFFFFFC0, v11  }
0xfa: {  	v10 =	vor.u32 v10, v11  }
0xfb: {  	v11 =	vperm.xlane v10, v7;
	_ =	sdelay $0x1  }
0xfc: {  	v11 =	vadd.s32 v8, v11;
	_ =	sdelay $0x4  }
0xfd: {  	[tilespmem:s14], [sflag:$0x1] =	stream.indirect_vreg.gather [hbm4b:s2+s4], $0x80, v11, vm0, $0xb8;
	[tilespmem:$0x1A100] =	vst v63  }
0xfe: {  	v10 =	vperm.xlane v10, v9  }
0xff: {  	[tilespmem:s28], [sflag:$0x1] =	stream.indirect_vreg.gather [hbm4b:s6+s4], $0x80, v11, vm0, $0xb8;
	[tilespmem:$0x1A100] =	vst v63  }
0x100: {  	v10 =	vadd.s32 v8, v10  }
0x101: {  	[tilespmem:s29], [sflag:$0x1] =	stream.indirect_vreg.gather [hbm4b:s7+s4], $0x80, v11, vm0, $0xb8;
	[tilespmem:$0x1A100] =	vst v63  }
0x102: {  	_ = 	snop  }
0x103: {  	[tilespmem:s30], [sflag:$0x1] =	stream.indirect_vreg.gather [hbm4b:s8+s4], $0x80, v11, vm0, $0xb8;
	[tilespmem:$0x1A100] =	vst v63  }
0x104: {  	_ = 	snop  }
0x105: {  	[tilespmem:s31], [sflag:$0x1] =	stream.indirect_vreg.gather [hbm4b:s2+s4], $0x80, v10, vm0, $0xb8;
	[tilespmem:$0x1A100] =	vst v63  }
0x106: {  	s28 =	simm.s32 $0x4900  }
0x107: {  	[tilespmem:s28], [sflag:$0x1] =	stream.indirect_vreg.gather [hbm4b:s6+s4], $0x80, v10, vm0, $0xb8;
	[tilespmem:$0x1A100] =	vst v63  }
0x108: {  	_ = 	snop  }
0x109: {  	[tilespmem:s3], [sflag:$0x1] =	stream.indirect_vreg.gather [hbm4b:s7+s4], $0x80, v10, vm0, $0xb8;
	[tilespmem:$0x1A100] =	vst v63  }
0x10a: {  	s29 =	simm.s32 $0x5900  }
0x10b: {  	[tilespmem:s29], [sflag:$0x1] =	stream.indirect_vreg.gather [hbm4b:s8+s4], $0x80, v10, vm0, $0xb8;
	[tilespmem:$0x1A100] =	vst v63  }
0x10c: {  	v10 =	vld [tilespmem:$0x2070];
	_ =	sdelay $0x4  }
0x10d: {  	v11 =	vshll.u32 v10, $0x3  }
0x10e: {  	v10 =	vand.u32 $0x7, v10;
	v11 =	vand.u32 $0xFFFFFFC0, v11  }
0x10f: {  	v10 =	vor.u32 v10, v11  }
0x110: {  	v11 =	vperm.xlane v10, v7;
	_ =	sdelay $0x1  }
0x111: {  	v11 =	vadd.s32 v8, v11;
	_ =	sdelay $0x4  }
0x112: {  	[tilespmem:s17], [sflag:$0x1] =	stream.indirect_vreg.gather [hbm4b:s2+s4], $0x80, v11, vm0, $0xb8;
	[tilespmem:$0x1A100] =	vst v63  }
0x113: {  	v10 =	vperm.xlane v10, v9  }
0x114: {  	[tilespmem:s18], [sflag:$0x1] =	stream.indirect_vreg.gather [hbm4b:s6+s4], $0x80, v11, vm0, $0xb8;
	[tilespmem:$0x1A100] =	vst v63  }
0x115: {  	v10 =	vadd.s32 v8, v10  }
0x116: {  	[tilespmem:s19], [sflag:$0x1] =	stream.indirect_vreg.gather [hbm4b:s7+s4], $0x80, v11, vm0, $0xb8;
	[tilespmem:$0x1A100] =	vst v63  }
0x117: {  	s30 =	simm.s32 $0x7900  }
0x118: {  	[tilespmem:s30], [sflag:$0x1] =	stream.indirect_vreg.gather [hbm4b:s8+s4], $0x80, v11, vm0, $0xb8;
	[tilespmem:$0x1A100] =	vst v63  }
0x119: {  	_ = 	snop  }
0x11a: {  	[tilespmem:s10], [sflag:$0x1] =	stream.indirect_vreg.gather [hbm4b:s2+s4], $0x80, v10, vm0, $0xb8;
	[tilespmem:$0x1A100] =	vst v63  }
0x11b: {  	_ = 	snop  }
0x11c: {  	[tilespmem:s11], [sflag:$0x1] =	stream.indirect_vreg.gather [hbm4b:s6+s4], $0x80, v10, vm0, $0xb8;
	[tilespmem:$0x1A100] =	vst v63  }
0x11d: {  	_ = 	snop  }
0x11e: {  	[tilespmem:s12], [sflag:$0x1] =	stream.indirect_vreg.gather [hbm4b:s7+s4], $0x80, v10, vm0, $0xb8;
	[tilespmem:$0x1A100] =	vst v63  }
0x11f: {  	_ = 	snop  }
0x120: {  	[tilespmem:s13], [sflag:$0x1] =	stream.indirect_vreg.gather [hbm4b:s8+s4], $0x80, v10, vm0, $0xb8;
	[tilespmem:$0x1A100] =	vst v63  }
0x121: {  	v10 =	vld [tilespmem:$0x2080];
	_ =	sdelay $0x4  }
0x122: {  	v11 =	vshll.u32 v10, $0x3  }
0x123: {  	v10 =	vand.u32 $0x7, v10;
	v11 =	vand.u32 $0xFFFFFFC0, v11  }
0x124: {  	v10 =	vor.u32 v10, v11  }
0x125: {  	v11 =	vperm.xlane v10, v7;
	_ =	sdelay $0x1  }
0x126: {  	v11 =	vadd.s32 v8, v11;
	_ =	sdelay $0x4  }
0x127: {  	[tilespmem:s21], [sflag:$0x1] =	stream.indirect_vreg.gather [hbm4b:s2+s4], $0x80, v11, vm0, $0xb8;
	[tilespmem:$0x1A100] =	vst v63  }
0x128: {  	v10 =	vperm.xlane v10, v9  }
0x129: {  	[tilespmem:s22], [sflag:$0x1] =	stream.indirect_vreg.gather [hbm4b:s6+s4], $0x80, v11, vm0, $0xb8;
	[tilespmem:$0x1A100] =	vst v63  }
0x12a: {  	v10 =	vadd.s32 v8, v10  }
0x12b: {  	[tilespmem:s24], [sflag:$0x1] =	stream.indirect_vreg.gather [hbm4b:s7+s4], $0x80, v11, vm0, $0xb8;
	[tilespmem:$0x1A100] =	vst v63  }
0x12c: {  	_ = 	snop  }
0x12d: {  	[tilespmem:s20], [sflag:$0x1] =	stream.indirect_vreg.gather [hbm4b:s8+s4], $0x80, v11, vm0, $0xb8;
	[tilespmem:$0x1A100] =	vst v63  }
0x12e: {  	_ = 	snop  }
0x12f: {  	[tilespmem:s25], [sflag:$0x1] =	stream.indirect_vreg.gather [hbm4b:s2+s4], $0x80, v10, vm0, $0xb8;
	[tilespmem:$0x1A100] =	vst v63  }
0x130: {  	_ = 	snop  }
0x131: {  	[tilespmem:s26], [sflag:$0x1] =	stream.indirect_vreg.gather [hbm4b:s6+s4], $0x80, v10, vm0, $0xb8;
	[tilespmem:$0x1A100] =	vst v63  }
0x132: {  	_ = 	snop  }
0x133: {  	[tilespmem:s23], [sflag:$0x1] =	stream.indirect_vreg.gather [hbm4b:s7+s4], $0x80, v10, vm0, $0xb8;
	[tilespmem:$0x1A100] =	vst v63  }
0x134: {  	s9 =	simm.s32 $0xD900;
	s3 =	simm.s32 $0x2  }
0x135: {  	[tilespmem:s9], [sflag:$0x1] =	stream.indirect_vreg.gather [hbm4b:s8+s4], $0x80, v10, vm0, $0xb8;
	[tilespmem:$0x1A100] =	vst v63  }
0x136: {  	_ =	swait.ge [sflag:s3], $0xC000  }
0x137: {  	[sflag:s3] =	ssyncset.done $0x0  }
0x138: {  	s28 =	rddreg [dreg:$0x6];
	[sflag:s3] =	ssyncadd.s32 $0xFFFF4000  }
0x139: {  	[hbm4b:s28+s4] =	stream.linear.scatter [tilespmem:s1], [sflag:$0x3], $0xC000, $0x38;
	[tilespmem:$0x1A100] =	vst v63  }
0x13a: {  	_ =	swait.ge [sflag:s15], $0xC000  }
0x13b: {  	[sflag:s15] =	ssyncset.done $0x0  }
0x13c: {  	[sflag:s15] =	ssyncadd.s32 $0xFFFF4000  }
0x13d: {  	v10 =	vld [tilespmem:$0x2090];
	_ =	sdelay $0x4  }
0x13e: {  	v11 =	vshll.u32 v10, $0x3  }
0x13f: {  	v10 =	vand.u32 $0x7, v10;
	v11 =	vand.u32 $0xFFFFFFC0, v11  }
0x140: {  	v10 =	vor.u32 v10, v11  }
0x141: {  	v11 =	vperm.xlane v10, v7;
	_ =	sdelay $0x1  }
0x142: {  	v11 =	vadd.s32 v8, v11;
	_ =	sdelay $0x4  }
0x143: {  	[tilespmem:s1], [sflag:$0x2] =	stream.indirect_vreg.gather [hbm4b:s2+s4], $0x80, v11, vm0, $0xb8;
	[tilespmem:$0x1A100] =	vst v63  }
0x144: {  	s29 =	simm.s32 $0xE900;
	v10 =	vperm.xlane v10, v9  }
0x145: {  	[tilespmem:s29], [sflag:$0x2] =	stream.indirect_vreg.gather [hbm4b:s6+s4], $0x80, v11, vm0, $0xb8;
	[tilespmem:$0x1A100] =	vst v63  }
0x146: {  	s30 =	simm.s32 $0xF100;
	v10 =	vadd.s32 v8, v10  }
0x147: {  	[tilespmem:s30], [sflag:$0x2] =	stream.indirect_vreg.gather [hbm4b:s7+s4], $0x80, v11, vm0, $0xb8;
	[tilespmem:$0x1A100] =	vst v63  }
0x148: {  	s28 =	simm.s32 $0xF900  }
0x149: {  	[tilespmem:s28], [sflag:$0x2] =	stream.indirect_vreg.gather [hbm4b:s8+s4], $0x80, v11, vm0, $0xb8;
	[tilespmem:$0x1A100] =	vst v63  }
0x14a: {  	s29 =	simm.s32 $0x10100  }
0x14b: {  	[tilespmem:s29], [sflag:$0x2] =	stream.indirect_vreg.gather [hbm4b:s2+s4], $0x80, v10, vm0, $0xb8;
	[tilespmem:$0x1A100] =	vst v63  }
0x14c: {  	s30 =	simm.s32 $0x10900  }
0x14d: {  	[tilespmem:s30], [sflag:$0x2] =	stream.indirect_vreg.gather [hbm4b:s6+s4], $0x80, v10, vm0, $0xb8;
	[tilespmem:$0x1A100] =	vst v63  }
0x14e: {  	s28 =	simm.s32 $0x11100  }
0x14f: {  	[tilespmem:s28], [sflag:$0x2] =	stream.indirect_vreg.gather [hbm4b:s7+s4], $0x80, v10, vm0, $0xb8;
	[tilespmem:$0x1A100] =	vst v63  }
0x150: {  	s29 =	simm.s32 $0x11900  }
0x151: {  	[tilespmem:s29], [sflag:$0x2] =	stream.indirect_vreg.gather [hbm4b:s8+s4], $0x80, v10, vm0, $0xb8;
	[tilespmem:$0x1A100] =	vst v63  }
0x152: {  	v10 =	vld [tilespmem:$0x20A0];
	_ =	sdelay $0x4  }
0x153: {  	v11 =	vshll.u32 v10, $0x3  }
0x154: {  	v10 =	vand.u32 $0x7, v10;
	v11 =	vand.u32 $0xFFFFFFC0, v11  }
0x155: {  	v10 =	vor.u32 v10, v11  }
0x156: {  	v11 =	vperm.xlane v10, v7;
	_ =	sdelay $0x1  }
0x157: {  	v11 =	vadd.s32 v8, v11;
	_ =	sdelay $0x3  }
0x158: {  	s30 =	simm.s32 $0x12100  }
0x159: {  	[tilespmem:s30], [sflag:$0x2] =	stream.indirect_vreg.gather [hbm4b:s2+s4], $0x80, v11, vm0, $0xb8;
	[tilespmem:$0x1A100] =	vst v63  }
0x15a: {  	s28 =	simm.s32 $0x12900;
	v10 =	vperm.xlane v10, v9  }
0x15b: {  	[tilespmem:s28], [sflag:$0x2] =	stream.indirect_vreg.gather [hbm4b:s6+s4], $0x80, v11, vm0, $0xb8;
	[tilespmem:$0x1A100] =	vst v63  }
0x15c: {  	s29 =	simm.s32 $0x13100;
	v10 =	vadd.s32 v8, v10  }
0x15d: {  	[tilespmem:s29], [sflag:$0x2] =	stream.indirect_vreg.gather [hbm4b:s7+s4], $0x80, v11, vm0, $0xb8;
	[tilespmem:$0x1A100] =	vst v63  }
0x15e: {  	s30 =	simm.s32 $0x13900  }
0x15f: {  	[tilespmem:s30], [sflag:$0x2] =	stream.indirect_vreg.gather [hbm4b:s8+s4], $0x80, v11, vm0, $0xb8;
	[tilespmem:$0x1A100] =	vst v63  }
0x160: {  	s28 =	simm.s32 $0x14100  }
0x161: {  	[tilespmem:s28], [sflag:$0x2] =	stream.indirect_vreg.gather [hbm4b:s2+s4], $0x80, v10, vm0, $0xb8;
	[tilespmem:$0x1A100] =	vst v63  }
0x162: {  	s29 =	simm.s32 $0x14900  }
0x163: {  	[tilespmem:s29], [sflag:$0x2] =	stream.indirect_vreg.gather [hbm4b:s6+s4], $0x80, v10, vm0, $0xb8;
	[tilespmem:$0x1A100] =	vst v63  }
0x164: {  	s30 =	simm.s32 $0x15100  }
0x165: {  	[tilespmem:s30], [sflag:$0x2] =	stream.indirect_vreg.gather [hbm4b:s7+s4], $0x80, v10, vm0, $0xb8;
	[tilespmem:$0x1A100] =	vst v63  }
0x166: {  	s28 =	simm.s32 $0x15900  }
0x167: {  	[tilespmem:s28], [sflag:$0x2] =	stream.indirect_vreg.gather [hbm4b:s8+s4], $0x80, v10, vm0, $0xb8;
	[tilespmem:$0x1A100] =	vst v63  }
0x168: {  	v10 =	vld [tilespmem:$0x20B0];
	_ =	sdelay $0x4  }
0x169: {  	v11 =	vshll.u32 v10, $0x3  }
0x16a: {  	v10 =	vand.u32 $0x7, v10;
	v11 =	vand.u32 $0xFFFFFFC0, v11  }
0x16b: {  	v10 =	vor.u32 v10, v11  }
0x16c: {  	v11 =	vperm.xlane v10, v7;
	_ =	sdelay $0x1  }
0x16d: {  	v11 =	vadd.s32 v8, v11;
	_ =	sdelay $0x3  }
0x16e: {  	s29 =	simm.s32 $0x16100  }
0x16f: {  	[tilespmem:s29], [sflag:$0x2] =	stream.indirect_vreg.gather [hbm4b:s2+s4], $0x80, v11, vm0, $0xb8;
	[tilespmem:$0x1A100] =	vst v63  }
0x170: {  	s30 =	simm.s32 $0x16900;
	v10 =	vperm.xlane v10, v9  }
0x171: {  	[tilespmem:s30], [sflag:$0x2] =	stream.indirect_vreg.gather [hbm4b:s6+s4], $0x80, v11, vm0, $0xb8;
	[tilespmem:$0x1A100] =	vst v63  }
0x172: {  	s28 =	simm.s32 $0x17100;
	v10 =	vadd.s32 v8, v10  }
0x173: {  	[tilespmem:s28], [sflag:$0x2] =	stream.indirect_vreg.gather [hbm4b:s7+s4], $0x80, v11, vm0, $0xb8;
	[tilespmem:$0x1A100] =	vst v63  }
0x174: {  	s29 =	simm.s32 $0x17900  }
0x175: {  	[tilespmem:s29], [sflag:$0x2] =	stream.indirect_vreg.gather [hbm4b:s8+s4], $0x80, v11, vm0, $0xb8;
	[tilespmem:$0x1A100] =	vst v63  }
0x176: {  	s30 =	simm.s32 $0x18100  }
0x177: {  	[tilespmem:s30], [sflag:$0x2] =	stream.indirect_vreg.gather [hbm4b:s2+s4], $0x80, v10, vm0, $0xb8;
	[tilespmem:$0x1A100] =	vst v63  }
0x178: {  	s28 =	simm.s32 $0x18900  }
0x179: {  	[tilespmem:s28], [sflag:$0x2] =	stream.indirect_vreg.gather [hbm4b:s6+s4], $0x80, v10, vm0, $0xb8;
	[tilespmem:$0x1A100] =	vst v63  }
0x17a: {  	s29 =	simm.s32 $0x19100  }
0x17b: {  	[tilespmem:s29], [sflag:$0x2] =	stream.indirect_vreg.gather [hbm4b:s7+s4], $0x80, v10, vm0, $0xb8;
	[tilespmem:$0x1A100] =	vst v63  }
0x17c: {  	s30 =	simm.s32 $0x19900  }
0x17d: {  	[tilespmem:s30], [sflag:$0x2] =	stream.indirect_vreg.gather [hbm4b:s8+s4], $0x80, v10, vm0, $0xb8;
	[tilespmem:$0x1A100] =	vst v63  }
0x17e: {  	_ =	swait.ge [sflag:s0], $0xC000  }
0x17f: {  	[sflag:s0] =	ssyncset.done $0x0  }
0x180: {  	s14 =	simm.s32 $0x2100;
	s28 =	rddreg [dreg:$0x7];
	[sflag:s0] =	ssyncadd.s32 $0xFFFF4000  }
0x181: {  	[hbm4b:s28+s4] =	stream.linear.scatter [tilespmem:s14], [sflag:$0x3], $0xC000, $0x38;
	[tilespmem:$0x1A100] =	vst v63  }
0x182: {  	_ =	swait.ge [sflag:s15], $0xC000  }
0x183: {  	[sflag:s15] =	ssyncset.done $0x0  }
0x184: {  	[sflag:s15] =	ssyncadd.s32 $0xFFFF4000  }
0x185: {  	_ =	swait.ge [sflag:s3], $0xC000  }
0x186: {  	[sflag:s3] =	ssyncset.done $0x0  }
0x187: {  	s29 =	rddreg [dreg:$0x8];
	[sflag:s3] =	ssyncadd.s32 $0xFFFF4000  }
0x188: {  	[hbm4b:s29+s4] =	stream.linear.scatter [tilespmem:s1], [sflag:$0x3], $0xC000, $0x38;
	[tilespmem:$0x1A100] =	vst v63  }
0x189: {  	_ =	swait.ge [sflag:s15], $0xC000  }
0x18a: {  	s5 =	sadd.s32 $0x1, s5;
	s30 =	rddreg [dreg:$0x9]  }
0x18b: {  	p0 =	sne.s32 s5, s30  }
.Ltmp2:
0x18c: {  	_ = 	snop;
	(pc) =	sbr.rel @p0 .LBB2_1-.Ltmp2, $3  }
0x18d: {  	_ =	sdelay $0x1  }
0x18e: {  	[sflag:s15] =	ssyncset.done $0x0  }
0x18f: {  	[sflag:s15] =	ssyncadd.s32 $0xFFFF4000  }
0x190: {  	_ =	sfence.sel $0x180000  }
0x191: {  	[bflag:$0x0] =	sbarrier.arrive $0xFFFF  }
0x192: {  	_ =	strace $0x90000047  }
0x193: {  	s0 =	stileid.u32;
	[bflag:$0x2] =	sbarrier.arrive $0xFFFF  }
0x194: {  	p0 =	sne.s32 s0, $0x0;
	s0 =	rddreg [dreg:$0x3]  }
0x195: {  	s0 =	sadd.s32 @!p0 $0x100000, s0  }
0x196: {  	[sflag:s0] =	ssyncadd.tile.s32 @!p0 $0x1;
	_ =	shalt  }
.Lfunc_end2:
_tile_overlayer_lowered:
.L_overlay_start_2:
0x197: {  	(tag) =	ssettag $0x2  }
0x198: {  	s0 =	rddreg [dreg:$0x0];
	s2 =	stileid.u32  }
0x199: {  	s1 =	rddreg [dreg:$0x1];
	p0 =	sne.s32 s2, $0x0  }
0x19a: {  	s3 =	rddreg [dreg:$0x2];
	[bflag:$0x3] =	sbarrier.arrive $0xFFFF;
	s2 =	simm.s32 @!p0 $0x1C03  }
0x19b: {  	[timem:s3], [sflag:s2] =	dma.local @!p0 [hbm:s0], s1  }
0x19c: {  	s0 =	simm.s32 @!p0 $0x3  }
0x19d: {  	_ =	swait.ge @!p0 [sflag:s0], s1  }
0x19e: {  	s1 =	ssub.s32 @!p0 $0x0, s1;
	[sflag:s0] =	ssyncset.done @!p0 $0x0  }
0x19f: {  	[sflag:s0] =	ssyncadd.s32 @!p0 s1  }
0x1a0: {  	[bflag:$0x3] =	sbarrier.arrive $0xFFFF  }
0x1a1: {  	_ =	shalt  }

// kernel: kernel.8.cloned.1.call-start
scs
__scs_entry_jumppad:
0x0: {  	(pc) =	sbr.rel $0x88, $3  }
0x1: {  	(tag) =	ssettag $0x0;
	lr =	simm.s32 $0x1  }
0x2: {  	[smem:$0x3F9D] =	sst lr;
	_ =	strace $0xD0000000  }
0x3: {  	_ = 	snop  }
0x4: {  	_ = 	snop  }
0x5: {  	_ = 	snop  }
0x6: {  	_ = 	snop  }
0x7: {  	_ = 	snop  }
__scs_overlays_trampoline_lowered:
0x8: {  	[smem:$0x3FAC] =	sst s0  }
0x9: {  	[smem:$0x3FAD] =	sst s1  }
0xa: {  	[smem:$0x3FAE] =	sst s2  }
0xb: {  	[smem:$0x3FAF] =	sst s3  }
0xc: {  	[smem:$0x3FB0] =	sst s4  }
0xd: {  	[smem:$0x3FB1] =	sst s5  }
0xe: {  	[smem:$0x3FB2] =	sst s6  }
0xf: {  	[smem:$0x3FB3] =	sst s7  }
0x10: {  	[smem:$0x3FB4] =	sst s8  }
0x11: {  	[smem:$0x3FB5] =	sst s9;
	s0 =	simm.s32 @!p0 $0x0  }
0x12: {  	s1 =	sld [smem:$0x3F9B];
	s0 =	simm.s32 @p0 $0x1  }
0x13: {  	[smem:$0x3FB6] =	sst s0;
	s0 =	simm.s32 @!p1 $0x0  }
0x14: {  	s2 =	sld [smem:$0x3F9A];
	s0 =	simm.s32 @p1 $0x1  }
0x15: {  	[smem:$0x3FB7] =	sst s0;
	s0 =	simm.s32 @!p2 $0x0  }
0x16: {  	s3 =	sld [smem:$0x3FDB];
	s0 =	simm.s32 @p2 $0x1  }
0x17: {  	s4 =	simm.s32 $0x1BF5;
	[smem:$0x3FB9] =	sst s0  }
0x18: {  	s0 =	sld [smem:$0x3F9C];
	_ =	swait.ge [sflag:s4], $0x0  }
0x19: {  	s7 =	sld [smem:$0x3F9D]  }
0x1a: {  	s8 =	sadd.s32 $0xFFFFE003, lr  }
0x1b: {  	s9 =	sadd.s32 $0xFFFFFEF7, lr;
	s5 =	simm.s32 $0xFFFFFFFF;
	p2 =	slt.u32 s8, $0xFFFFF086  }
0x1c: {  	p1 =	slt.u32 s9, $0xF7A;
	s5 =	simm.s32 @!p2 $0x0  }
0x1d: {  	s5 =	simm.s32 @p1 $0x1;
	p0 =	seq.s32 s7, s2  }
0x1e: {  	s7 =	smul.u32 @!p0 $0xF7A, s2;
	p2 =	seq.s32 @!p0 s5, $0x0  }
0x1f: {  	s9 =	smul.u32 $0xF7A, s1;
	s8 =	simm.s32 @!p0 $0x1BF5;
	p2 =	por !p2, p0  }
0x20: {  	[sflag:s8] =	ssyncset.s32 @!p0 $0xFFFFF086;
	s6 =	sadd.s32 @!p0 s3, s7;
	s7 =	simm.s32 @!p0 $0x108  }
0x21: {  	s3 =	sadd.s32 s3, s9;
	s6 =	sadd.s32 @!p0 $0x88, s6;
	s7 =	simm.s32 @p2 $0x1082  }
0x22: {  	[simem:s7], [sflag:s8] =	dma.local @!p0 [hbm:s6], $0xF7A  }
0x23: {  	s9 =	sor.u32 $0xD0000000, s2;
	s6 =	simm.s32 $0x108;
	_ =	swait.ge @!p0 [sflag:s8], $0x0  }
0x24: {  	s3 =	sadd.s32 $0x88, s3;
	s6 =	simm.s32 @!p1 $0x1082;
	[sflag:s4] =	ssyncset.s32 $0xFFFFF086  }
0x25: {  	[simem:s6], [sflag:s4] =	dma.local [hbm:s3], $0xF7A  }
0x26: {  	[smem:$0x3F9D] =	sst s1;
	(tag) =	ssettag s2;
	_ =	strace s9  }
0x27: {  	s1 =	sld [smem:$0x3FAD]  }
0x28: {  	s2 =	sld [smem:$0x3FAE]  }
0x29: {  	s4 =	sld [smem:$0x3FB0]  }
0x2a: {  	p0 =	seq.s32 s5, $0x0;
	s5 =	sld [smem:$0x3FB1]  }
0x2b: {  	s6 =	sld [smem:$0x3FB2]  }
0x2c: {  	s7 =	sld [smem:$0x3FB3]  }
0x2d: {  	s3 =	simm.s32 $0x108;
	s8 =	sld [smem:$0x3FB4]  }
0x2e: {  	s3 =	simm.s32 @!p0 $0x1082;
	s9 =	sld [smem:$0x3FB5]  }
0x2f: {  	lr =	sadd.s32 s0, s3;
	s0 =	sld [smem:$0x3FAC]  }
0x30: {  	s3 =	sld [smem:$0x3FAF]  }
0x31: {  	[smem:$0x3FB8] =	sst s10  }
0x32: {  	s10 =	sld [smem:$0x3FB6];
	_ =	sdelay $0x3  }
0x33: {  	p0 =	seq.s32 s10, $0x1;
	s10 =	sld [smem:$0x3FB8];
	_ =	sdelay $0x3  }
0x34: {  	[smem:$0x3FB8] =	sst s10  }
0x35: {  	s10 =	sld [smem:$0x3FB7];
	_ =	sdelay $0x3  }
0x36: {  	p1 =	seq.s32 s10, $0x1;
	s10 =	sld [smem:$0x3FB8];
	_ =	sdelay $0x3  }
0x37: {  	[smem:$0x3FB8] =	sst s10  }
0x38: {  	s10 =	sld [smem:$0x3FB9]  }
0x39: {  	_ = 	snop;
	(pc) =	sbr.ind lr, $3  }
0x3a: {  	_ = 	snop  }
0x3b: {  	_ = 	snop  }
0x3c: {  	p2 =	seq.s32 s10, $0x1;
	s10 =	sld [smem:$0x3FB8]  }
0x3d: {  	_ =	shalt  }
0x3e: {  	_ =	shalt  }
0x3f: {  	_ =	shalt  }
0x40: {  	_ =	shalt  }
0x41: {  	_ =	shalt  }
0x42: {  	_ =	shalt  }
0x43: {  	_ =	shalt  }
0x44: {  	_ =	shalt  }
0x45: {  	_ =	shalt  }
0x46: {  	_ =	shalt  }
0x47: {  	_ =	shalt  }
0x48: {  	_ =	shalt  }
0x49: {  	_ =	shalt  }
0x4a: {  	_ =	shalt  }
0x4b: {  	_ =	shalt  }
0x4c: {  	_ =	shalt  }
0x4d: {  	_ =	shalt  }
0x4e: {  	_ =	shalt  }
0x4f: {  	_ =	shalt  }
0x50: {  	_ =	shalt  }
0x51: {  	_ =	shalt  }
0x52: {  	_ =	shalt  }
0x53: {  	_ =	shalt  }
0x54: {  	_ =	shalt  }
0x55: {  	_ =	shalt  }
0x56: {  	_ =	shalt  }
0x57: {  	_ =	shalt  }
0x58: {  	_ =	shalt  }
0x59: {  	_ =	shalt  }
0x5a: {  	_ =	shalt  }
0x5b: {  	_ =	shalt  }
0x5c: {  	_ =	shalt  }
0x5d: {  	_ =	shalt  }
0x5e: {  	_ =	shalt  }
0x5f: {  	_ =	shalt  }
0x60: {  	_ =	shalt  }
0x61: {  	_ =	shalt  }
0x62: {  	_ =	shalt  }
0x63: {  	_ =	shalt  }
0x64: {  	_ =	shalt  }
0x65: {  	_ =	shalt  }
0x66: {  	_ =	shalt  }
0x67: {  	_ =	shalt  }
0x68: {  	_ =	shalt  }
0x69: {  	_ =	shalt  }
0x6a: {  	_ =	shalt  }
0x6b: {  	_ =	shalt  }
0x6c: {  	_ =	shalt  }
0x6d: {  	_ =	shalt  }
0x6e: {  	_ =	shalt  }
0x6f: {  	_ =	shalt  }
0x70: {  	_ =	shalt  }
0x71: {  	_ =	shalt  }
0x72: {  	_ =	shalt  }
0x73: {  	_ =	shalt  }
0x74: {  	_ =	shalt  }
0x75: {  	_ =	shalt  }
0x76: {  	_ =	shalt  }
0x77: {  	_ =	shalt  }
0x78: {  	_ =	shalt  }
0x79: {  	_ =	shalt  }
0x7a: {  	_ =	shalt  }
0x7b: {  	_ =	shalt  }
0x7c: {  	_ =	shalt  }
0x7d: {  	_ =	shalt  }
0x7e: {  	_ =	shalt  }
0x7f: {  	_ =	shalt  }
0x80: {  	_ =	shalt  }
0x81: {  	_ =	shalt  }
0x82: {  	_ =	shalt  }
0x83: {  	_ =	shalt  }
0x84: {  	_ =	shalt  }
0x85: {  	_ =	shalt  }
0x86: {  	_ =	shalt  }
0x87: {  	_ =	shalt  }
.Lfunc_end0:
.L_simem_size_0:
called_computation.1_lowered:
.L_overlay_start_0:
0x88: {  	s2 =	sld [smem:$0x3FD9]  }
0x89: {  	s3 =	sld [smem:$0x3FFE];
	_ =	sdelay $0x1  }
0x8a: {  	s1 =	srdreg.scid  }
0x8b: {  	s0 =	sand.u32 $0x1, s1  }
0x8c: {  	s17 =	sshll.u32 s0, $0xA;
	s2 =	sadd.s32 s3, s2  }
0x8d: {  	s2 =	sadd.s32 s2, s17  }
0x8e: {  	[smem:$0x3FC4] =	sst s2  }
0x8f: {  	_ = 	snop  }
0x90: {  	s2 =	sld [smem:$0x3FD0];
	(tm) =	ssettm $0x1  }
0x91: {  	s18 =	sld [smem:$0x3FFB];
	_ =	sdelay $0x3  }
0x92: {  	_ =	strace s18  }
0x93: {  	s3 =	sld [smem:$0x3FFC];
	_ =	sdelay $0x3  }
0x94: {  	_ =	strace s3  }
0x95: {  	s3 =	sld [smem:$0x3FFD];
	_ =	sdelay $0x3  }
0x96: {  	_ =	strace s3  }
0x97: {  	_ =	strace $0x8FFFFFFF  }
0x98: {  	s19 =	sld [smem:$0x3FDB];
	_ =	sdelay $0x1  }
0x99: {  	s4 =	simm.s32 $_scs_section_size  }
0x9a: {  	s5 =	simm.s32 $_size__tile_overlayer_lowered;
	s6 =	simm.s32 $_tile_overlayer_lowered  }
0x9b: {  	s22 =	simm.s32 $0x1BFF;
	s21 =	sshll.u32 s6, $0x1;
	s3 =	sadd.s32 s4, s19  }
0x9c: {  	s7 =	simm.s32 $0x0;
	s20 =	sshll.u32 s5, $0x1;
	s5 =	sadd.s32 s21, s3  }
0x9d: {  	[timem:s7], [sflag:s22] =	dma.local [hbm:s5], s20  }
0x9e: {  	_ =	swait.ge [sflag:s22], s20  }
0x9f: {  	s4 =	ssub.s32 $0x0, s20;
	[sflag:s22] =	ssyncset.done $0x0  }
0xa0: {  	[sflag:s22] =	ssyncadd.s32 s4;
	_ =	sdelay $0x1  }
0xa1: {  	s23 =	simm.s32 $0x1B8B  }
0xa2: {  	_ =	swait.ge [sflag:s23], $0x1  }
0xa3: {  	[sflag:s23] =	ssyncset.done $0x0  }
0xa4: {  	s25 =	simm.s32 $0x1B8E;
	s24 =	sld [smem:$0x3FFE];
	[sflag:s23] =	ssyncadd.s32 $0xFFFFFFFF  }
0xa5: {  	s26 =	simm.s32 $execute0_lowered;
	[smem:$0x3FD2] =	sst s25  }
0xa6: {  	s5 =	sshll.u32 s26, $0x1;
	_ =	strace $0x80000049;
	[dreg:$0x1] =	wrdreg $0xFFFFFFFF  }
0xa7: {  	s28 =	simm.s32 $_size_execute0_lowered;
	s3 =	sadd.s32 s3, s5;
	[dreg:$0x0] =	wrdreg $0x0  }
0xa8: {  	s5 =	sshll.u32 s28, $0x1;
	[dreg:$0x2] =	wrdreg s3  }
0xa9: {  	[dreg:$0x3] =	wrdreg s5  }
0xaa: {  	[dreg:$0x4] =	wrdreg $0xC0  }
0xab: {  	_ =	task [dreg:s7], $0x5FFFF  }
0xac: {  	[dreg:$0x1] =	wrdreg $0xFFFFFFFF  }
0xad: {  	[dreg:$0x0] =	wrdreg $0x60  }
0xae: {  	[dreg:$0x2] =	wrdreg s24  }
0xaf: {  	[dreg:$0x3] =	wrdreg s2  }
0xb0: {  	[dreg:$0x4] =	wrdreg $0x9  }
0xb1: {  	_ =	task.clear_ibuf [dreg:s7], $0x5FFFF;
	_ =	strace $0x90000049  }
0xb2: {  	s29 =	simm.s32 $0x9;
	_ =	strace $0x8000004B  }
0xb3: {  	_ =	swait.ge [sflag:s29], $0x1  }
0xb4: {  	[sflag:s29] =	ssyncadd.s32 $0xFFFFFFFF  }
0xb5: {  	_ =	strace $0x9000004B  }
0xb6: {  	_ =	sfence  }
0xb7: {  	s30 =	sld [smem:$0x0];
	_ =	sdelay $0x2  }
0xb8: {  	s31 =	sshll.u32 s1, $0xD;
	s1 =	sshrl.u32 s1, $0x2  }
0xb9: {  	s3 =	sand.u32 $0x4000, s31;
	s1 =	sadd.s32 s1, s30  }
0xba: {  	s0 =	sor.u32 s3, s0;
	s1 =	sshll.u32 s1, $0x11  }
0xbb: {  	s0 =	sor.u32 s1, s0  }
0xbc: {  	s0 =	sadd.s32 $0x8F2B, s0  }
0xbd: {  	[sflag:s0] =	ssyncadd.remote.s32 $0x1  }
0xbe: {  	_ =	sfence.sel $0xFFFF  }
0xbf: {  	[dreg:$0x0] =	wrdreg $0xFFFFFFFF;
	(pc) =	sbr.abs _section_cstart, $3  }
0xc0: {  	[dreg:$0x1] =	wrdreg $0xFFFFFFFF  }
0xc1: {  	_ =	task.clear_ibuf [dreg:s7], $0x2FFFF;
	_ =	strace $0x9FFFFFFF  }
0xc2: {  	(tm) =	ssettm $0x7FFFFFFF  }
0xc3: {  	_ =	shalt  }
tec
execute0_lowered:
.L_overlay_start_1:
0x0: {  	(tag) =	ssettag $0x1  }
0x1: {  	s0 =	rddreg [dreg:$0x0]  }
0x2: {  	s1 =	rddreg [dreg:$0x1];
	s2 =	simm.s32 $0x0  }
0x3: {  	s3 =	srdreg.scid;
	s4 =	stileid.u32;
	s15 =	simm.s32 $0x3  }
0x4: {  	s28 =	simm.s32 $0x0;
	s8 =	simm.s32 $0x1080;
	s13 =	simm.s32 $0x3880  }
0x5: {  	s14 =	simm.s32 $0x4080;
	s17 =	simm.s32 $0x5880;
	s10 =	simm.s32 $0x6080  }
0x6: {  	s18 =	simm.s32 $0x6880;
	s11 =	simm.s32 $0x7080;
	s19 =	simm.s32 $0x7880  }
0x7: {  	s12 =	simm.s32 $0x8080;
	s20 =	simm.s32 $0x8880;
	s21 =	simm.s32 $0x9880  }
0x8: {  	s22 =	simm.s32 $0xA080;
	s23 =	simm.s32 $0xA880;
	s3 =	sand.u32 $0x1, s3  }
0x9: {  	[smem:$0x7FF] =	sst s2;
	s4 =	sshll.u32 s4, $0x8;
	s5 =	sshll.u32 s3, $0x7  }
0xa: {  	s6 =	ssub.s32 $0x2, s3;
	_ =	strace $0x8000004A;
	s4 =	sor.u32 s5, s4  }
0xb: {  	s3 =	sadd.s32 $0xC4C00, s0;
	s24 =	sshrl.u32 s6, $0x1;
	s7 =	sadd.s32 s4, s0  }
0xc: {  	s5 =	sadd.s32 $0xC4D00, s0;
	s4 =	sshll.u32 s4, $0x7;
	s25 =	sadd.s32 $0xC0C00, s7  }
0xd: {  	s9 =	ssub.s32 s6, s24;
	s1 =	sadd.s32 s1, s4;
	[dreg:$0x3] =	wrdreg s25  }
0xe: {  	s6 =	sadd.s32 $0xC4E00, s0;
	s31 =	smax.u32 s9, $0x1;
	[dreg:$0x8] =	wrdreg s1  }
0xf: {  	s24 =	simm.s32 $0xB080;
	s26 =	sadd.s32 $0x1000, s1;
	[dreg:$0x7] =	wrdreg s31  }
0x10: {  	v2 =	vlaneseq.u32;
	s7 =	sadd.s32 $0xC4F00, s0;
	s29 =	sadd.s32 $0x2000, s1;
	[dreg:$0x4] =	wrdreg s26  }
0x11: {  	vm0 =	vmmov $0xffff;
	v1 =	vshrl.u32 v2, $0x3;
	s9 =	simm.s32 $0x5080;
	s30 =	sadd.s32 $0x3000, s1;
	[dreg:$0x5] =	wrdreg s29  }
0x12: {  	v0 =	vand.u32 $0x7, v2;
	v2 =	vor.u32 $0x8, v2;
	v1 =	vmul.u32 $0x8, v1;
	s25 =	simm.s32 $0x9080;
	[dreg:$0x6] =	wrdreg s30;
	s26 =	simm.s32 $0xC080  }
.LBB2_1:
0x13: {  	s29 =	rddreg [dreg:$0x3];
	s30 =	simm.s32 $0x400;
	s31 =	simm.s32 $0x8000  }
0x14: {  	[tilespmem:s2], [sflag:$0x3] =	stream.strided.gather [hbm4b:s29+s30], $0x1000, s31, s30, $0x38;
	[tilespmem:$0x11080] =	vst v63  }
0x15: {  	_ =	swait.ge [sflag:s15], $0x1000  }
0x16: {  	[sflag:s15] =	ssyncset.done $0x0  }
0x17: {  	s29 =	simm.s32 $0x0;
	[sflag:s15] =	ssyncadd.s32 $0xFFFFF000  }
0x18: {  	v3 =	vld [tilespmem:s29+$0x0]  }
0x19: {  	v4 =	vld [tilespmem:s29+$0x80]  }
0x1a: {  	v5 =	vld [tilespmem:s29+$0x100]  }
0x1b: {  	v6 =	vld [tilespmem:s29+$0x180]  }
0x1c: {  	v7 =	vld [tilespmem:s29+$0x200]  }
0x1d: {  	v8 =	vld [tilespmem:s29+$0x280]  }
0x1e: {  	v3 =	vadd.s32 v4, v3;
	v4 =	vld [tilespmem:s29+$0x300]  }
0x1f: {  	v3 =	vadd.s32 v5, v3;
	v5 =	vld [tilespmem:s29+$0x380]  }
0x20: {  	v3 =	vadd.s32 v6, v3;
	v6 =	vld [tilespmem:s29+$0x400]  }
0x21: {  	v3 =	vadd.s32 v7, v3;
	v7 =	vld [tilespmem:s29+$0x480]  }
0x22: {  	v3 =	vadd.s32 v8, v3;
	v8 =	vld [tilespmem:s29+$0x500]  }
0x23: {  	v3 =	vadd.s32 v4, v3;
	v4 =	vld [tilespmem:s29+$0x580]  }
0x24: {  	v3 =	vadd.s32 v5, v3;
	v5 =	vld [tilespmem:s29+$0x600]  }
0x25: {  	v3 =	vadd.s32 v6, v3;
	v6 =	vld [tilespmem:s29+$0x680]  }
0x26: {  	v3 =	vadd.s32 v7, v3;
	v7 =	vld [tilespmem:s29+$0x700]  }
0x27: {  	v3 =	vadd.s32 v8, v3;
	v8 =	vld [tilespmem:s29+$0x780]  }
0x28: {  	v3 =	vadd.s32 v4, v3;
	v4 =	vld [tilespmem:s29+$0x800]  }
0x29: {  	v3 =	vadd.s32 v5, v3;
	v5 =	vld [tilespmem:s29+$0x880]  }
0x2a: {  	v3 =	vadd.s32 v6, v3;
	v6 =	vld [tilespmem:s29+$0x900]  }
0x2b: {  	v3 =	vadd.s32 v7, v3;
	v7 =	vld [tilespmem:s29+$0x980]  }
0x2c: {  	v3 =	vadd.s32 v8, v3;
	v8 =	vld [tilespmem:s29+$0xA00]  }
0x2d: {  	v3 =	vadd.s32 v4, v3;
	v4 =	vld [tilespmem:s29+$0xA80]  }
0x2e: {  	v3 =	vadd.s32 v5, v3;
	v5 =	vld [tilespmem:s29+$0xB00]  }
0x2f: {  	v3 =	vadd.s32 v6, v3;
	v6 =	vld [tilespmem:s29+$0xB80]  }
0x30: {  	v3 =	vadd.s32 v7, v3;
	v7 =	vld [tilespmem:s29+$0xC00]  }
0x31: {  	v3 =	vadd.s32 v8, v3;
	v8 =	vld [tilespmem:s29+$0xC80]  }
0x32: {  	v9 =	vld [tilespmem:s29+$0xD00];
	v3 =	vadd.s32 v4, v3  }
0x33: {  	v10 =	vld [tilespmem:s29+$0xD80];
	v3 =	vadd.s32 v5, v3  }
0x34: {  	v4 =	vld [tilespmem:s29+$0xE00];
	v3 =	vadd.s32 v6, v3  }
0x35: {  	v5 =	vld [tilespmem:s29+$0xE80];
	v3 =	vadd.s32 v7, v3  }
0x36: {  	v6 =	vld [tilespmem:s29+$0xF00];
	v3 =	vadd.s32 v8, v3  }
0x37: {  	s30 =	simm.s32 $0x10;
	v7 =	vld [tilespmem:s29+$0xF80];
	v8 =	vadd.s32 v9, v3  }
0x38: {  	s31 =	simm.s32 $0x80;
	v3 =	vld [tilespmem:s30+$0x0];
	v8 =	vadd.s32 v10, v8  }
.LBB2_2:
0x39: {  	p0 =	sne.s32 s31, $0x1C0;
	v9 =	vld [tilespmem:s30+$0x80];
	v4 =	vadd.s32 v4, v8  }
0x3a: {  	v8 =	vld [tilespmem:s30+$0x100];
	v4 =	vadd.s32 v5, v4  }
0x3b: {  	v5 =	vld [tilespmem:s30+$0x180];
	v4 =	vadd.s32 v6, v4  }
0x3c: {  	v6 =	vld [tilespmem:s30+$0x200];
	v4 =	vadd.s32 v7, v4  }
0x3d: {  	v7 =	vld [tilespmem:s30+$0x280];
	v4 =	vadd.s32 $0xFFFFFFFF, v4  }
0x3e: {  	v3 =	vadd.s32 v9, v3;
	v9 =	vld [tilespmem:s30+$0x300];
	[tilespmem:s29+$0x1000] =	vst v4;
	s29 =	smov.u32 s30  }
0x3f: {  	v3 =	vadd.s32 v8, v3;
	v4 =	vld [tilespmem:s29+$0x380]  }
0x40: {  	v3 =	vadd.s32 v5, v3;
	v5 =	vld [tilespmem:s29+$0x400]  }
0x41: {  	v3 =	vadd.s32 v6, v3;
	v6 =	vld [tilespmem:s29+$0x480]  }
0x42: {  	v3 =	vadd.s32 v7, v3;
	v7 =	vld [tilespmem:s29+$0x500]  }
0x43: {  	v3 =	vadd.s32 v9, v3;
	v8 =	vld [tilespmem:s29+$0x580]  }
0x44: {  	v3 =	vadd.s32 v4, v3;
	v4 =	vld [tilespmem:s29+$0x600]  }
0x45: {  	v3 =	vadd.s32 v5, v3;
	v5 =	vld [tilespmem:s29+$0x680]  }
0x46: {  	v3 =	vadd.s32 v6, v3;
	v6 =	vld [tilespmem:s29+$0x700]  }
0x47: {  	v3 =	vadd.s32 v7, v3;
	v7 =	vld [tilespmem:s29+$0x780]  }
0x48: {  	v3 =	vadd.s32 v8, v3;
	v8 =	vld [tilespmem:s29+$0x800]  }
0x49: {  	v3 =	vadd.s32 v4, v3;
	v4 =	vld [tilespmem:s29+$0x880]  }
0x4a: {  	v3 =	vadd.s32 v5, v3;
	v5 =	vld [tilespmem:s29+$0x900]  }
0x4b: {  	v3 =	vadd.s32 v6, v3;
	v6 =	vld [tilespmem:s29+$0x980]  }
0x4c: {  	v3 =	vadd.s32 v7, v3;
	v7 =	vld [tilespmem:s29+$0xA00]  }
0x4d: {  	v3 =	vadd.s32 v8, v3;
	v8 =	vld [tilespmem:s29+$0xA80]  }
0x4e: {  	v3 =	vadd.s32 v4, v3;
	v4 =	vld [tilespmem:s29+$0xB00]  }
0x4f: {  	v3 =	vadd.s32 v5, v3;
	v5 =	vld [tilespmem:s29+$0xB80]  }
0x50: {  	v3 =	vadd.s32 v6, v3;
	v6 =	vld [tilespmem:s29+$0xC00]  }
0x51: {  	v3 =	vadd.s32 v7, v3;
	v7 =	vld [tilespmem:s29+$0xC80]  }
0x52: {  	v3 =	vadd.s32 v8, v3;
	v8 =	vld [tilespmem:s29+$0xD00]  }
0x53: {  	v3 =	vadd.s32 v4, v3;
	v9 =	vld [tilespmem:s29+$0xD80]  }
.Ltmp0:
0x54: {  	v3 =	vadd.s32 v5, v3;
	v4 =	vld [tilespmem:s29+$0xE00];
	(pc) =	sbr.rel @p0 .LBB2_2-.Ltmp0, $4  }
0x55: {  	v3 =	vadd.s32 v6, v3;
	v5 =	vld [tilespmem:s29+$0xE80]  }
0x56: {  	v3 =	vadd.s32 v7, v3;
	v6 =	vld [tilespmem:s29+$0xF00]  }
0x57: {  	s30 =	sshra.s32 s31, $0x2;
	v8 =	vadd.s32 v8, v3;
	v7 =	vld [tilespmem:s29+$0xF80]  }
0x58: {  	s31 =	sadd.s32 $0x40, s31;
	v3 =	vld [tilespmem:s30+$0x0];
	v8 =	vadd.s32 v9, v8  }
0x59: {  	v9 =	vld [tilespmem:s30+$0x80];
	v4 =	vadd.s32 v4, v8  }
0x5a: {  	v28 =	vld [tilespmem:s30+$0x100];
	v4 =	vadd.s32 v5, v4  }
0x5b: {  	v29 =	vld [tilespmem:s30+$0x180];
	v4 =	vadd.s32 v6, v4  }
0x5c: {  	v30 =	vld [tilespmem:s30+$0x200];
	v4 =	vadd.s32 v7, v4  }
0x5d: {  	v31 =	vld [tilespmem:s30+$0x280];
	v4 =	vadd.s32 $0xFFFFFFFF, v4  }
0x5e: {  	v10 =	vld [tilespmem:s30+$0x300];
	[tilespmem:s29+$0x1000] =	vst v4;
	v3 =	vadd.s32 v9, v3  }
0x5f: {  	v3 =	vadd.s32 v28, v3;
	v4 =	vld [tilespmem:s30+$0x380]  }
0x60: {  	v32 =	vld [tilespmem:s30+$0x400];
	v3 =	vadd.s32 v29, v3  }
0x61: {  	v33 =	vld [tilespmem:s30+$0x480];
	v3 =	vadd.s32 v30, v3  }
0x62: {  	v34 =	vld [tilespmem:s30+$0x500];
	v3 =	vadd.s32 v31, v3  }
0x63: {  	v35 =	vld [tilespmem:s30+$0x580];
	v3 =	vadd.s32 v10, v3  }
0x64: {  	v36 =	vld [tilespmem:s30+$0x600];
	v3 =	vadd.s32 v4, v3  }
0x65: {  	v37 =	vld [tilespmem:s30+$0x680];
	v3 =	vadd.s32 v32, v3  }
0x66: {  	v38 =	vld [tilespmem:s30+$0x700];
	v3 =	vadd.s32 v33, v3  }
0x67: {  	v39 =	vld [tilespmem:s30+$0x780];
	v3 =	vadd.s32 v34, v3  }
0x68: {  	v40 =	vld [tilespmem:s30+$0x800];
	v3 =	vadd.s32 v35, v3  }
0x69: {  	v41 =	vld [tilespmem:s30+$0x880];
	v3 =	vadd.s32 v36, v3  }
0x6a: {  	v42 =	vld [tilespmem:s30+$0x900];
	v3 =	vadd.s32 v37, v3  }
0x6b: {  	v43 =	vld [tilespmem:s30+$0x980];
	v3 =	vadd.s32 v38, v3  }
0x6c: {  	v44 =	vld [tilespmem:s30+$0xA00];
	v3 =	vadd.s32 v39, v3  }
0x6d: {  	v45 =	vld [tilespmem:s30+$0xA80];
	v3 =	vadd.s32 v40, v3  }
0x6e: {  	v46 =	vld [tilespmem:s30+$0xB00];
	v3 =	vadd.s32 v41, v3  }
0x6f: {  	v47 =	vld [tilespmem:s30+$0xB80];
	v3 =	vadd.s32 v42, v3  }
0x70: {  	v48 =	vld [tilespmem:s30+$0xC00];
	v3 =	vadd.s32 v43, v3  }
0x71: {  	v49 =	vld [tilespmem:s30+$0xC80];
	v3 =	vadd.s32 v44, v3  }
0x72: {  	v50 =	vld [tilespmem:s30+$0xD00];
	v3 =	vadd.s32 v45, v3  }
0x73: {  	v51 =	vld [tilespmem:s30+$0xD80];
	v3 =	vadd.s32 v46, v3  }
0x74: {  	v52 =	vld [tilespmem:s30+$0xE00];
	v3 =	vadd.s32 v47, v3  }
0x75: {  	v53 =	vld [tilespmem:s30+$0xE80];
	v3 =	vadd.s32 v48, v3  }
0x76: {  	v54 =	vld [tilespmem:s30+$0xF00];
	v3 =	vadd.s32 v49, v3  }
0x77: {  	v55 =	vld [tilespmem:s30+$0xF80];
	v3 =	vadd.s32 v50, v3  }
0x78: {  	v3 =	vadd.s32 v51, v3  }
0x79: {  	v3 =	vadd.s32 v52, v3  }
0x7a: {  	v3 =	vadd.s32 v53, v3  }
0x7b: {  	v3 =	vadd.s32 v54, v3  }
0x7c: {  	v3 =	vadd.s32 v55, v3  }
0x7d: {  	v3 =	vadd.s32 $0xFFFFFFFF, v3  }
0x7e: {  	[tilespmem:s30+$0x1000] =	vst v3  }
0x7f: {  	v3 =	vld [tilespmem:$0x1000];
	_ =	sdelay $0x4  }
0x80: {  	v56 =	vshll.u32 v3, $0x3  }
0x81: {  	v3 =	vand.u32 $0x7, v3;
	v4 =	vand.u32 $0xFFFFFFC0, v56  }
0x82: {  	v3 =	vor.u32 v3, v4  }
0x83: {  	v4 =	vperm.xlane v3, v0;
	_ =	sdelay $0x1  }
0x84: {  	v4 =	vadd.s32 v1, v4;
	_ =	sdelay $0x4  }
0x85: {  	[tilespmem:s8], [sflag:$0x1] =	stream.indirect_vreg.gather [hbm4b:s3+s2], $0x80, v4, vm0, $0xb8;
	[tilespmem:$0x11080] =	vst v63  }
0x86: {  	s29 =	simm.s32 $0x1880;
	v3 =	vperm.xlane v3, v2  }
0x87: {  	[tilespmem:s29], [sflag:$0x1] =	stream.indirect_vreg.gather [hbm4b:s5+s2], $0x80, v4, vm0, $0xb8;
	[tilespmem:$0x11080] =	vst v63  }
0x88: {  	s30 =	simm.s32 $0x2080;
	v3 =	vadd.s32 v1, v3  }
0x89: {  	[tilespmem:s30], [sflag:$0x1] =	stream.indirect_vreg.gather [hbm4b:s6+s2], $0x80, v4, vm0, $0xb8;
	[tilespmem:$0x11080] =	vst v63  }
0x8a: {  	s31 =	simm.s32 $0x2880  }
0x8b: {  	[tilespmem:s31], [sflag:$0x1] =	stream.indirect_vreg.gather [hbm4b:s7+s2], $0x80, v4, vm0, $0xb8;
	[tilespmem:$0x11080] =	vst v63  }
0x8c: {  	s1 =	simm.s32 $0x3080  }
0x8d: {  	[tilespmem:s1], [sflag:$0x1] =	stream.indirect_vreg.gather [hbm4b:s3+s2], $0x80, v3, vm0, $0xb8;
	[tilespmem:$0x11080] =	vst v63  }
0x8e: {  	_ = 	snop  }
0x8f: {  	[tilespmem:s13], [sflag:$0x1] =	stream.indirect_vreg.gather [hbm4b:s5+s2], $0x80, v3, vm0, $0xb8;
	[tilespmem:$0x11080] =	vst v63  }
0x90: {  	_ = 	snop  }
0x91: {  	[tilespmem:s14], [sflag:$0x1] =	stream.indirect_vreg.gather [hbm4b:s6+s2], $0x80, v3, vm0, $0xb8;
	[tilespmem:$0x11080] =	vst v63  }
0x92: {  	s4 =	simm.s32 $0x4880  }
0x93: {  	[tilespmem:s4], [sflag:$0x1] =	stream.indirect_vreg.gather [hbm4b:s7+s2], $0x80, v3, vm0, $0xb8;
	[tilespmem:$0x11080] =	vst v63  }
0x94: {  	v3 =	vld [tilespmem:$0x1010];
	_ =	sdelay $0x4  }
0x95: {  	v57 =	vshll.u32 v3, $0x3  }
0x96: {  	v3 =	vand.u32 $0x7, v3;
	v4 =	vand.u32 $0xFFFFFFC0, v57  }
0x97: {  	v3 =	vor.u32 v3, v4  }
0x98: {  	v4 =	vperm.xlane v3, v0;
	_ =	sdelay $0x1  }
0x99: {  	v4 =	vadd.s32 v1, v4;
	_ =	sdelay $0x4  }
0x9a: {  	[tilespmem:s9], [sflag:$0x1] =	stream.indirect_vreg.gather [hbm4b:s3+s2], $0x80, v4, vm0, $0xb8;
	[tilespmem:$0x11080] =	vst v63  }
0x9b: {  	v3 =	vperm.xlane v3, v2  }
0x9c: {  	[tilespmem:s17], [sflag:$0x1] =	stream.indirect_vreg.gather [hbm4b:s5+s2], $0x80, v4, vm0, $0xb8;
	[tilespmem:$0x11080] =	vst v63  }
0x9d: {  	v3 =	vadd.s32 v1, v3  }
0x9e: {  	[tilespmem:s10], [sflag:$0x1] =	stream.indirect_vreg.gather [hbm4b:s6+s2], $0x80, v4, vm0, $0xb8;
	[tilespmem:$0x11080] =	vst v63  }
0x9f: {  	_ = 	snop  }
0xa0: {  	[tilespmem:s18], [sflag:$0x1] =	stream.indirect_vreg.gather [hbm4b:s7+s2], $0x80, v4, vm0, $0xb8;
	[tilespmem:$0x11080] =	vst v63  }
0xa1: {  	_ = 	snop  }
0xa2: {  	[tilespmem:s11], [sflag:$0x1] =	stream.indirect_vreg.gather [hbm4b:s3+s2], $0x80, v3, vm0, $0xb8;
	[tilespmem:$0x11080] =	vst v63  }
0xa3: {  	_ = 	snop  }
0xa4: {  	[tilespmem:s19], [sflag:$0x1] =	stream.indirect_vreg.gather [hbm4b:s5+s2], $0x80, v3, vm0, $0xb8;
	[tilespmem:$0x11080] =	vst v63  }
0xa5: {  	_ = 	snop  }
0xa6: {  	[tilespmem:s12], [sflag:$0x1] =	stream.indirect_vreg.gather [hbm4b:s6+s2], $0x80, v3, vm0, $0xb8;
	[tilespmem:$0x11080] =	vst v63  }
0xa7: {  	_ = 	snop  }
0xa8: {  	[tilespmem:s20], [sflag:$0x1] =	stream.indirect_vreg.gather [hbm4b:s7+s2], $0x80, v3, vm0, $0xb8;
	[tilespmem:$0x11080] =	vst v63  }
0xa9: {  	v3 =	vld [tilespmem:$0x1020];
	_ =	sdelay $0x4  }
0xaa: {  	v58 =	vshll.u32 v3, $0x3  }
0xab: {  	v3 =	vand.u32 $0x7, v3;
	v4 =	vand.u32 $0xFFFFFFC0, v58  }
0xac: {  	v3 =	vor.u32 v3, v4  }
0xad: {  	v4 =	vperm.xlane v3, v0;
	_ =	sdelay $0x1  }
0xae: {  	v4 =	vadd.s32 v1, v4;
	_ =	sdelay $0x4  }
0xaf: {  	[tilespmem:s25], [sflag:$0x2] =	stream.indirect_vreg.gather [hbm4b:s3+s2], $0x80, v4, vm0, $0xb8;
	[tilespmem:$0x11080] =	vst v63  }
0xb0: {  	v3 =	vperm.xlane v3, v2  }
0xb1: {  	[tilespmem:s21], [sflag:$0x2] =	stream.indirect_vreg.gather [hbm4b:s5+s2], $0x80, v4, vm0, $0xb8;
	[tilespmem:$0x11080] =	vst v63  }
0xb2: {  	v3 =	vadd.s32 v1, v3  }
0xb3: {  	[tilespmem:s22], [sflag:$0x2] =	stream.indirect_vreg.gather [hbm4b:s6+s2], $0x80, v4, vm0, $0xb8;
	[tilespmem:$0x11080] =	vst v63  }
0xb4: {  	_ = 	snop  }
0xb5: {  	[tilespmem:s23], [sflag:$0x2] =	stream.indirect_vreg.gather [hbm4b:s7+s2], $0x80, v4, vm0, $0xb8;
	[tilespmem:$0x11080] =	vst v63  }
0xb6: {  	_ = 	snop  }
0xb7: {  	[tilespmem:s24], [sflag:$0x2] =	stream.indirect_vreg.gather [hbm4b:s3+s2], $0x80, v3, vm0, $0xb8;
	[tilespmem:$0x11080] =	vst v63  }
0xb8: {  	s0 =	simm.s32 $0xB880  }
0xb9: {  	[tilespmem:s0], [sflag:$0x2] =	stream.indirect_vreg.gather [hbm4b:s5+s2], $0x80, v3, vm0, $0xb8;
	[tilespmem:$0x11080] =	vst v63  }
0xba: {  	_ = 	snop  }
0xbb: {  	[tilespmem:s26], [sflag:$0x2] =	stream.indirect_vreg.gather [hbm4b:s6+s2], $0x80, v3, vm0, $0xb8;
	[tilespmem:$0x11080] =	vst v63  }
0xbc: {  	s16 =	simm.s32 $0xC880  }
0xbd: {  	[tilespmem:s16], [sflag:$0x2] =	stream.indirect_vreg.gather [hbm4b:s7+s2], $0x80, v3, vm0, $0xb8;
	[tilespmem:$0x11080] =	vst v63  }
0xbe: {  	v3 =	vld [tilespmem:$0x1030];
	_ =	sdelay $0x4  }
0xbf: {  	v59 =	vshll.u32 v3, $0x3  }
0xc0: {  	v3 =	vand.u32 $0x7, v3;
	v4 =	vand.u32 $0xFFFFFFC0, v59  }
0xc1: {  	v3 =	vor.u32 v3, v4  }
0xc2: {  	v4 =	vperm.xlane v3, v0;
	_ =	sdelay $0x1  }
0xc3: {  	v4 =	vadd.s32 v1, v4;
	_ =	sdelay $0x3  }
0xc4: {  	s16 =	simm.s32 $0xD080  }
0xc5: {  	[tilespmem:s16], [sflag:$0x2] =	stream.indirect_vreg.gather [hbm4b:s3+s2], $0x80, v4, vm0, $0xb8;
	[tilespmem:$0x11080] =	vst v63  }
0xc6: {  	v3 =	vperm.xlane v3, v2;
	s16 =	simm.s32 $0xD880  }
0xc7: {  	[tilespmem:s16], [sflag:$0x2] =	stream.indirect_vreg.gather [hbm4b:s5+s2], $0x80, v4, vm0, $0xb8;
	[tilespmem:$0x11080] =	vst v63  }
0xc8: {  	v3 =	vadd.s32 v1, v3;
	s16 =	simm.s32 $0xE080  }
0xc9: {  	[tilespmem:s16], [sflag:$0x2] =	stream.indirect_vreg.gather [hbm4b:s6+s2], $0x80, v4, vm0, $0xb8;
	[tilespmem:$0x11080] =	vst v63  }
0xca: {  	s16 =	simm.s32 $0xE880  }
0xcb: {  	[tilespmem:s16], [sflag:$0x2] =	stream.indirect_vreg.gather [hbm4b:s7+s2], $0x80, v4, vm0, $0xb8;
	[tilespmem:$0x11080] =	vst v63  }
0xcc: {  	s16 =	simm.s32 $0xF080  }
0xcd: {  	[tilespmem:s16], [sflag:$0x2] =	stream.indirect_vreg.gather [hbm4b:s3+s2], $0x80, v3, vm0, $0xb8;
	[tilespmem:$0x11080] =	vst v63  }
0xce: {  	s16 =	simm.s32 $0xF880  }
0xcf: {  	[tilespmem:s16], [sflag:$0x2] =	stream.indirect_vreg.gather [hbm4b:s5+s2], $0x80, v3, vm0, $0xb8;
	[tilespmem:$0x11080] =	vst v63  }
0xd0: {  	s16 =	simm.s32 $0x10080  }
0xd1: {  	[tilespmem:s16], [sflag:$0x2] =	stream.indirect_vreg.gather [hbm4b:s6+s2], $0x80, v3, vm0, $0xb8;
	[tilespmem:$0x11080] =	vst v63  }
0xd2: {  	s0 =	simm.s32 $0x1;
	s16 =	simm.s32 $0x10880  }
0xd3: {  	[tilespmem:s16], [sflag:$0x2] =	stream.indirect_vreg.gather [hbm4b:s7+s2], $0x80, v3, vm0, $0xb8;
	[tilespmem:$0x11080] =	vst v63  }
0xd4: {  	_ =	swait.ge [sflag:s0], $0x8000  }
0xd5: {  	[sflag:s0] =	ssyncset.done $0x0  }
0xd6: {  	s16 =	rddreg [dreg:$0x8];
	[sflag:s0] =	ssyncadd.s32 $0xFFFF8000  }
0xd7: {  	[hbm4b:s16+s2] =	stream.linear.scatter [tilespmem:s8], [sflag:$0x3], $0x8000, $0x38;
	[tilespmem:$0x11080] =	vst v63  }
0xd8: {  	_ =	swait.ge [sflag:s15], $0x8000  }
0xd9: {  	[sflag:s15] =	ssyncset.done $0x0  }
0xda: {  	[sflag:s15] =	ssyncadd.s32 $0xFFFF8000  }
0xdb: {  	v3 =	vld [tilespmem:$0x1040];
	_ =	sdelay $0x4  }
0xdc: {  	v60 =	vshll.u32 v3, $0x3  }
0xdd: {  	v3 =	vand.u32 $0x7, v3;
	v4 =	vand.u32 $0xFFFFFFC0, v60  }
0xde: {  	v3 =	vor.u32 v3, v4  }
0xdf: {  	v4 =	vperm.xlane v3, v0;
	_ =	sdelay $0x1  }
0xe0: {  	v4 =	vadd.s32 v1, v4;
	_ =	sdelay $0x4  }
0xe1: {  	[tilespmem:s8], [sflag:$0x1] =	stream.indirect_vreg.gather [hbm4b:s3+s2], $0x80, v4, vm0, $0xb8;
	[tilespmem:$0x11080] =	vst v63  }
0xe2: {  	v3 =	vperm.xlane v3, v2  }
0xe3: {  	[tilespmem:s29], [sflag:$0x1] =	stream.indirect_vreg.gather [hbm4b:s5+s2], $0x80, v4, vm0, $0xb8;
	[tilespmem:$0x11080] =	vst v63  }
0xe4: {  	v3 =	vadd.s32 v1, v3  }
0xe5: {  	[tilespmem:s30], [sflag:$0x1] =	stream.indirect_vreg.gather [hbm4b:s6+s2], $0x80, v4, vm0, $0xb8;
	[tilespmem:$0x11080] =	vst v63  }
0xe6: {  	_ = 	snop  }
0xe7: {  	[tilespmem:s31], [sflag:$0x1] =	stream.indirect_vreg.gather [hbm4b:s7+s2], $0x80, v4, vm0, $0xb8;
	[tilespmem:$0x11080] =	vst v63  }
0xe8: {  	_ = 	snop  }
0xe9: {  	[tilespmem:s1], [sflag:$0x1] =	stream.indirect_vreg.gather [hbm4b:s3+s2], $0x80, v3, vm0, $0xb8;
	[tilespmem:$0x11080] =	vst v63  }
0xea: {  	_ = 	snop  }
0xeb: {  	[tilespmem:s13], [sflag:$0x1] =	stream.indirect_vreg.gather [hbm4b:s5+s2], $0x80, v3, vm0, $0xb8;
	[tilespmem:$0x11080] =	vst v63  }
0xec: {  	_ = 	snop  }
0xed: {  	[tilespmem:s14], [sflag:$0x1] =	stream.indirect_vreg.gather [hbm4b:s6+s2], $0x80, v3, vm0, $0xb8;
	[tilespmem:$0x11080] =	vst v63  }
0xee: {  	_ = 	snop  }
0xef: {  	[tilespmem:s4], [sflag:$0x1] =	stream.indirect_vreg.gather [hbm4b:s7+s2], $0x80, v3, vm0, $0xb8;
	[tilespmem:$0x11080] =	vst v63  }
0xf0: {  	v3 =	vld [tilespmem:$0x1050];
	_ =	sdelay $0x4  }
0xf1: {  	v61 =	vshll.u32 v3, $0x3  }
0xf2: {  	v3 =	vand.u32 $0x7, v3;
	v4 =	vand.u32 $0xFFFFFFC0, v61  }
0xf3: {  	v3 =	vor.u32 v3, v4  }
0xf4: {  	v4 =	vperm.xlane v3, v0;
	_ =	sdelay $0x1  }
0xf5: {  	v4 =	vadd.s32 v1, v4;
	_ =	sdelay $0x4  }
0xf6: {  	[tilespmem:s9], [sflag:$0x1] =	stream.indirect_vreg.gather [hbm4b:s3+s2], $0x80, v4, vm0, $0xb8;
	[tilespmem:$0x11080] =	vst v63  }
0xf7: {  	v3 =	vperm.xlane v3, v2  }
0xf8: {  	[tilespmem:s17], [sflag:$0x1] =	stream.indirect_vreg.gather [hbm4b:s5+s2], $0x80, v4, vm0, $0xb8;
	[tilespmem:$0x11080] =	vst v63  }
0xf9: {  	v3 =	vadd.s32 v1, v3  }
0xfa: {  	[tilespmem:s10], [sflag:$0x1] =	stream.indirect_vreg.gather [hbm4b:s6+s2], $0x80, v4, vm0, $0xb8;
	[tilespmem:$0x11080] =	vst v63  }
0xfb: {  	_ = 	snop  }
0xfc: {  	[tilespmem:s18], [sflag:$0x1] =	stream.indirect_vreg.gather [hbm4b:s7+s2], $0x80, v4, vm0, $0xb8;
	[tilespmem:$0x11080] =	vst v63  }
0xfd: {  	_ = 	snop  }
0xfe: {  	[tilespmem:s11], [sflag:$0x1] =	stream.indirect_vreg.gather [hbm4b:s3+s2], $0x80, v3, vm0, $0xb8;
	[tilespmem:$0x11080] =	vst v63  }
0xff: {  	_ = 	snop  }
0x100: {  	[tilespmem:s19], [sflag:$0x1] =	stream.indirect_vreg.gather [hbm4b:s5+s2], $0x80, v3, vm0, $0xb8;
	[tilespmem:$0x11080] =	vst v63  }
0x101: {  	_ = 	snop  }
0x102: {  	[tilespmem:s12], [sflag:$0x1] =	stream.indirect_vreg.gather [hbm4b:s6+s2], $0x80, v3, vm0, $0xb8;
	[tilespmem:$0x11080] =	vst v63  }
0x103: {  	s1 =	simm.s32 $0x2  }
0x104: {  	[tilespmem:s20], [sflag:$0x1] =	stream.indirect_vreg.gather [hbm4b:s7+s2], $0x80, v3, vm0, $0xb8;
	[tilespmem:$0x11080] =	vst v63  }
0x105: {  	_ =	swait.ge [sflag:s1], $0x8000  }
0x106: {  	[sflag:s1] =	ssyncset.done $0x0  }
0x107: {  	s16 =	rddreg [dreg:$0x4];
	[sflag:s1] =	ssyncadd.s32 $0xFFFF8000  }
0x108: {  	[hbm4b:s16+s2] =	stream.linear.scatter [tilespmem:s25], [sflag:$0x3], $0x8000, $0x38;
	[tilespmem:$0x11080] =	vst v63  }
0x109: {  	_ =	swait.ge [sflag:s15], $0x8000  }
0x10a: {  	[sflag:s15] =	ssyncset.done $0x0  }
0x10b: {  	[sflag:s15] =	ssyncadd.s32 $0xFFFF8000  }
0x10c: {  	v3 =	vld [tilespmem:$0x1060];
	_ =	sdelay $0x4  }
0x10d: {  	v62 =	vshll.u32 v3, $0x3  }
0x10e: {  	v3 =	vand.u32 $0x7, v3;
	v4 =	vand.u32 $0xFFFFFFC0, v62  }
0x10f: {  	v3 =	vor.u32 v3, v4  }
0x110: {  	v4 =	vperm.xlane v3, v0;
	_ =	sdelay $0x1  }
0x111: {  	v4 =	vadd.s32 v1, v4;
	_ =	sdelay $0x4  }
0x112: {  	[tilespmem:s25], [sflag:$0x2] =	stream.indirect_vreg.gather [hbm4b:s3+s2], $0x80, v4, vm0, $0xb8;
	[tilespmem:$0x11080] =	vst v63  }
0x113: {  	v3 =	vperm.xlane v3, v2  }
0x114: {  	[tilespmem:s21], [sflag:$0x2] =	stream.indirect_vreg.gather [hbm4b:s5+s2], $0x80, v4, vm0, $0xb8;
	[tilespmem:$0x11080] =	vst v63  }
0x115: {  	v3 =	vadd.s32 v1, v3  }
0x116: {  	[tilespmem:s22], [sflag:$0x2] =	stream.indirect_vreg.gather [hbm4b:s6+s2], $0x80, v4, vm0, $0xb8;
	[tilespmem:$0x11080] =	vst v63  }
0x117: {  	_ = 	snop  }
0x118: {  	[tilespmem:s23], [sflag:$0x2] =	stream.indirect_vreg.gather [hbm4b:s7+s2], $0x80, v4, vm0, $0xb8;
	[tilespmem:$0x11080] =	vst v63  }
0x119: {  	_ = 	snop  }
0x11a: {  	[tilespmem:s24], [sflag:$0x2] =	stream.indirect_vreg.gather [hbm4b:s3+s2], $0x80, v3, vm0, $0xb8;
	[tilespmem:$0x11080] =	vst v63  }
0x11b: {  	s30 =	simm.s32 $0xB880  }
0x11c: {  	[tilespmem:s30], [sflag:$0x2] =	stream.indirect_vreg.gather [hbm4b:s5+s2], $0x80, v3, vm0, $0xb8;
	[tilespmem:$0x11080] =	vst v63  }
0x11d: {  	_ = 	snop  }
0x11e: {  	[tilespmem:s26], [sflag:$0x2] =	stream.indirect_vreg.gather [hbm4b:s6+s2], $0x80, v3, vm0, $0xb8;
	[tilespmem:$0x11080] =	vst v63  }
0x11f: {  	s31 =	simm.s32 $0xC880  }
0x120: {  	[tilespmem:s31], [sflag:$0x2] =	stream.indirect_vreg.gather [hbm4b:s7+s2], $0x80, v3, vm0, $0xb8;
	[tilespmem:$0x11080] =	vst v63  }
0x121: {  	v3 =	vld [tilespmem:$0x1070];
	_ =	sdelay $0x4  }
0x122: {  	v63 =	vshll.u32 v3, $0x3  }
0x123: {  	v3 =	vand.u32 $0x7, v3;
	v4 =	vand.u32 $0xFFFFFFC0, v63  }
0x124: {  	v3 =	vor.u32 v3, v4  }
0x125: {  	v4 =	vperm.xlane v3, v0;
	_ =	sdelay $0x1  }
0x126: {  	v4 =	vadd.s32 v1, v4;
	_ =	sdelay $0x3  }
0x127: {  	s16 =	simm.s32 $0xD080  }
0x128: {  	[tilespmem:s16], [sflag:$0x2] =	stream.indirect_vreg.gather [hbm4b:s3+s2], $0x80, v4, vm0, $0xb8;
	[tilespmem:$0x11080] =	vst v63  }
0x129: {  	s29 =	simm.s32 $0xD880;
	v3 =	vperm.xlane v3, v2  }
0x12a: {  	[tilespmem:s29], [sflag:$0x2] =	stream.indirect_vreg.gather [hbm4b:s5+s2], $0x80, v4, vm0, $0xb8;
	[tilespmem:$0x11080] =	vst v63  }
0x12b: {  	s30 =	simm.s32 $0xE080;
	v3 =	vadd.s32 v1, v3  }
0x12c: {  	[tilespmem:s30], [sflag:$0x2] =	stream.indirect_vreg.gather [hbm4b:s6+s2], $0x80, v4, vm0, $0xb8;
	[tilespmem:$0x11080] =	vst v63  }
0x12d: {  	s31 =	simm.s32 $0xE880  }
0x12e: {  	[tilespmem:s31], [sflag:$0x2] =	stream.indirect_vreg.gather [hbm4b:s7+s2], $0x80, v4, vm0, $0xb8;
	[tilespmem:$0x11080] =	vst v63  }
0x12f: {  	s16 =	simm.s32 $0xF080  }
0x130: {  	[tilespmem:s16], [sflag:$0x2] =	stream.indirect_vreg.gather [hbm4b:s3+s2], $0x80, v3, vm0, $0xb8;
	[tilespmem:$0x11080] =	vst v63  }
0x131: {  	s29 =	simm.s32 $0xF880  }
0x132: {  	[tilespmem:s29], [sflag:$0x2] =	stream.indirect_vreg.gather [hbm4b:s5+s2], $0x80, v3, vm0, $0xb8;
	[tilespmem:$0x11080] =	vst v63  }
0x133: {  	s30 =	simm.s32 $0x10080  }
0x134: {  	[tilespmem:s30], [sflag:$0x2] =	stream.indirect_vreg.gather [hbm4b:s6+s2], $0x80, v3, vm0, $0xb8;
	[tilespmem:$0x11080] =	vst v63  }
0x135: {  	s31 =	simm.s32 $0x10880  }
0x136: {  	[tilespmem:s31], [sflag:$0x2] =	stream.indirect_vreg.gather [hbm4b:s7+s2], $0x80, v3, vm0, $0xb8;
	[tilespmem:$0x11080] =	vst v63  }
0x137: {  	_ =	swait.ge [sflag:s0], $0x8000  }
0x138: {  	[sflag:s0] =	ssyncset.done $0x0  }
0x139: {  	s16 =	rddreg [dreg:$0x5];
	[sflag:s0] =	ssyncadd.s32 $0xFFFF8000  }
0x13a: {  	[hbm4b:s16+s2] =	stream.linear.scatter [tilespmem:s8], [sflag:$0x3], $0x8000, $0x38;
	[tilespmem:$0x11080] =	vst v63  }
0x13b: {  	_ =	swait.ge [sflag:s15], $0x8000  }
0x13c: {  	[sflag:s15] =	ssyncset.done $0x0  }
0x13d: {  	[sflag:s15] =	ssyncadd.s32 $0xFFFF8000  }
0x13e: {  	_ =	swait.ge [sflag:s1], $0x8000  }
0x13f: {  	[sflag:s1] =	ssyncset.done $0x0  }
0x140: {  	s30 =	rddreg [dreg:$0x6];
	[sflag:s1] =	ssyncadd.s32 $0xFFFF8000  }
0x141: {  	[hbm4b:s30+s2] =	stream.linear.scatter [tilespmem:s25], [sflag:$0x3], $0x8000, $0x38;
	[tilespmem:$0x11080] =	vst v63  }
0x142: {  	_ =	swait.ge [sflag:s15], $0x8000  }
0x143: {  	s28 =	sadd.s32 $0x1, s28;
	s31 =	rddreg [dreg:$0x7]  }
0x144: {  	p0 =	sne.s32 s28, s31  }
.Ltmp1:
0x145: {  	_ = 	snop;
	(pc) =	sbr.rel @p0 .LBB2_1-.Ltmp1, $3  }
0x146: {  	_ =	sdelay $0x1  }
0x147: {  	[sflag:s15] =	ssyncset.done $0x0  }
0x148: {  	[sflag:s15] =	ssyncadd.s32 $0xFFFF8000  }
0x149: {  	_ =	sfence.sel $0x180000  }
0x14a: {  	[bflag:$0x0] =	sbarrier.arrive $0xFFFF  }
0x14b: {  	_ =	strace $0x9000004A  }
0x14c: {  	s0 =	stileid.u32;
	[bflag:$0x2] =	sbarrier.arrive $0xFFFF  }
0x14d: {  	p0 =	sne.s32 s0, $0x0;
	s0 =	rddreg [dreg:$0x2]  }
0x14e: {  	s0 =	sadd.s32 @!p0 $0x100000, s0  }
0x14f: {  	[sflag:s0] =	ssyncadd.tile.s32 @!p0 $0x1;
	_ =	shalt  }
.Lfunc_end2:
_tile_overlayer_lowered:
.L_overlay_start_2:
0x150: {  	(tag) =	ssettag $0x2  }
0x151: {  	s0 =	rddreg [dreg:$0x0];
	s2 =	stileid.u32  }
0x152: {  	s1 =	rddreg [dreg:$0x1];
	p0 =	sne.s32 s2, $0x0  }
0x153: {  	s3 =	rddreg [dreg:$0x2];
	[bflag:$0x3] =	sbarrier.arrive $0xFFFF;
	s2 =	simm.s32 @!p0 $0x1C03  }
0x154: {  	[timem:s3], [sflag:s2] =	dma.local @!p0 [hbm:s0], s1  }
0x155: {  	s0 =	simm.s32 @!p0 $0x3  }
0x156: {  	_ =	swait.ge @!p0 [sflag:s0], s1  }
0x157: {  	s1 =	ssub.s32 @!p0 $0x0, s1;
	[sflag:s0] =	ssyncset.done @!p0 $0x0  }
0x158: {  	[sflag:s0] =	ssyncadd.s32 @!p0 s1  }
0x159: {  	[bflag:$0x3] =	sbarrier.arrive $0xFFFF  }
0x15a: {  	_ =	shalt  }

</sc_bundles>
